<compile_context>
chip_gen: v7x
topology: tpu7x:2x2x1
jax: 0.10.2.dev20260603
libtpu: 0.0.44.dev20260713+nightly
codegen_flags: <defaults>
</compile_context>

<pallas_src>
import jax
import jax.numpy as jnp
from jax import lax
from jax.experimental import pallas as pl
from jax.experimental.pallas import tpu as pltpu
from jax.experimental.pallas import tpu_sc as plsc

VOCAB = 100000
EMBED = 64
BATCH = 4096
HIST = 50

NC, NS = 2, 16
NW = NC * NS
CHUNK = 128


def _body(ids_hbm, real_hbm, imag_hbm, out_r_hbm, out_i_hbm,
          idx_v, bufs, sem_g0, sem_g1, sem_s0, sem_s1):
    wid = lax.axis_index("s") * NC + lax.axis_index("c")
    base = wid * (HIST * CHUNK)
    sem_g = (sem_g0, sem_g1)
    sem_s = (sem_s0, sem_s1)

    pltpu.sync_copy(ids_hbm.at[wid], idx_v)

    def gather(h, slot):
        pltpu.async_copy(real_hbm.at[idx_v.at[h]], bufs[slot][0], sem_g[slot])
        pltpu.async_copy(imag_hbm.at[idx_v.at[h]], bufs[slot][1], sem_g[slot])

    def wait_gather(h, slot):
        pltpu.make_async_copy(real_hbm.at[idx_v.at[h]], bufs[slot][0], sem_g[slot]).wait()
        pltpu.make_async_copy(imag_hbm.at[idx_v.at[h]], bufs[slot][1], sem_g[slot]).wait()

    def store(h, slot):
        dst = pl.ds(base + h * CHUNK, CHUNK)
        pltpu.async_copy(bufs[slot][0], out_r_hbm.at[dst], sem_s[slot])
        pltpu.async_copy(bufs[slot][1], out_i_hbm.at[dst], sem_s[slot])

    def wait_store(h, slot):
        dst = pl.ds(base + h * CHUNK, CHUNK)
        pltpu.make_async_copy(bufs[slot][0], out_r_hbm.at[dst], sem_s[slot]).wait()
        pltpu.make_async_copy(bufs[slot][1], out_i_hbm.at[dst], sem_s[slot]).wait()

    gather(0, 0)
    wait_gather(0, 0)
    store(0, 0)
    gather(1, 1)

    def step(k, _):
        h1 = 2 * k + 1
        wait_gather(h1, 1)
        store(h1, 1)
        wait_store(h1 - 1, 0)
        gather(h1 + 1, 0)
        h2 = 2 * k + 2
        wait_gather(h2, 0)
        store(h2, 0)
        wait_store(h2 - 1, 1)
        gather(h2 + 1, 1)
        return ()

    lax.fori_loop(0, (HIST - 2) // 2, step, (), unroll=False)

    wait_gather(HIST - 1, 1)
    store(HIST - 1, 1)
    wait_store(HIST - 2, 0)
    wait_store(HIST - 1, 1)


@jax.jit
def _gather(ids, real, imag):
    mesh = plsc.VectorSubcoreMesh(core_axis_name="c", subcore_axis_name="s")
    out_type = (
        jax.ShapeDtypeStruct((HIST * BATCH, EMBED), jnp.float32),
        jax.ShapeDtypeStruct((HIST * BATCH, EMBED), jnp.float32),
    )
    return pl.kernel(
        _body,
        out_type=out_type,
        mesh=mesh,
        compiler_params=pltpu.CompilerParams(use_tc_tiling_on_sc=False),
        scratch_types=[
            pltpu.VMEM((HIST, CHUNK), jnp.int32),
            ((pltpu.VMEM((CHUNK, EMBED), jnp.float32),
              pltpu.VMEM((CHUNK, EMBED), jnp.float32)),
             (pltpu.VMEM((CHUNK, EMBED), jnp.float32),
              pltpu.VMEM((CHUNK, EMBED), jnp.float32))),
            pltpu.SemaphoreType.DMA,
            pltpu.SemaphoreType.DMA,
            pltpu.SemaphoreType.DMA,
            pltpu.SemaphoreType.DMA,
        ],
    )(ids, real, imag)


def kernel(input_ids, real, imag):
    ids = input_ids.T.reshape(NW, HIST, CHUNK).astype(jnp.int32)
    out_r, out_i = _gather(ids, real, imag)
    out = lax.complex(out_r, out_i)
    return out.reshape(HIST, BATCH, EMBED).transpose(1, 0, 2)

# --- scband reference (transcript-rebuilt; emitter-appended) ---
"""Pipeline reference for scband-complex-embedding-39651138077143 (READ-ONLY COPY).

The authoritative reference and input builder live on the scoring server;
editing this copy changes nothing except your own understanding.
"""

import jax, jax.numpy as jnp
import numpy as np

VOCAB = 100000
EMBED = 64
BATCH = 4096
HIST = 50

def setup_inputs(seed: int = 0) -> dict:
    key = jax.random.key(seed)
    k1, k2, k3 = jax.random.split(key, 3)
    input_ids = jax.random.randint(k1, (BATCH, HIST), 0, VOCAB, dtype=jnp.int64 if jax.config.jax_enable_x64 else jnp.int32)
    real = jax.random.normal(k2, (VOCAB, EMBED), dtype=jnp.float32)
    imag = jax.random.normal(k3, (VOCAB, EMBED), dtype=jnp.float32)
    return {"input_ids": input_ids, "real": real, "imag": imag}

def reference(input_ids, real, imag):
    r = jnp.take(real, input_ids, axis=0)
    i = jnp.take(imag, input_ids, axis=0)
    return jax.lax.complex(r, i)

if __name__ == "__main__":
    import jax
    _d = setup_inputs()
    print(jax.jit(kernel)(*tuple(_d.values())))

</pallas_src>

<mosaic_0001>
#map = affine_map<(d0, d1) -> (0, 0, 0)>
#map1 = affine_map<(d0, d1) -> (0, 0)>
module attributes {stable_mosaic.version = 14 : i64} {
  func.func @_body(%arg0: i32, %arg1: i32, %arg2: memref<32x50x128xi32, #tpu.memory_space<hbm>>, %arg3: memref<100000x64xf32, #tpu.memory_space<hbm>>, %arg4: memref<100000x64xf32, #tpu.memory_space<hbm>>, %arg5: memref<204800x64xf32, #tpu.memory_space<hbm>>, %arg6: memref<204800x64xf32, #tpu.memory_space<hbm>>, %arg7: memref<50x128xi32, #tpu.memory_space<vmem>>, %arg8: memref<128x64xf32, #tpu.memory_space<vmem>>, %arg9: memref<128x64xf32, #tpu.memory_space<vmem>>, %arg10: memref<128x64xf32, #tpu.memory_space<vmem>>, %arg11: memref<128x64xf32, #tpu.memory_space<vmem>>, %arg12: memref<!tpu.dma_semaphore, #tpu.memory_space<semaphore_mem>>, %arg13: memref<!tpu.dma_semaphore, #tpu.memory_space<semaphore_mem>>, %arg14: memref<!tpu.dma_semaphore, #tpu.memory_space<semaphore_mem>>, %arg15: memref<!tpu.dma_semaphore, #tpu.memory_space<semaphore_mem>>) attributes {dimension_semantics = [#tpu.dimension_semantics<core_parallel>, #tpu.dimension_semantics<subcore_parallel>], iteration_bounds = array<i64: 2, 16>, scalar_prefetch = 0 : i64, scratch_operands = 9 : i64, tpu.core_type = #tpu.core_type<sc_vector_subcore>, window_params = [{transform_indices = #map}, {transform_indices = #map1}, {transform_indices = #map1}, {transform_indices = #map1}, {transform_indices = #map1}]} {
    %mul3A = arith.constant 2 : i32
    %mul3A_0 = arith.muli %arg1, %mul3A : i32
    %add3A = arith.addi %mul3A_0, %arg0 : i32
    %mul3A_1 = arith.constant 6400 : i32
    %mul3A_2 = arith.muli %add3A, %mul3A_1 : i32
    "tpu.region"() ({
      %run_scoped3A = tpu.sem_alloc : memref<!tpu.dma_semaphore, #tpu.memory_space<semaphore_mem>>
      %dma_start3A_101 = arith.constant 0 : i32
      %dma_start3A_102 = arith.constant 0 : i32
      %dma_start3A_103 = tpu.memref_slice %arg2[%add3A, %dma_start3A_101, %dma_start3A_102] : memref<32x50x128xi32, #tpu.memory_space<hbm>> -> memref<1x50x128xi32, #tpu.memory_space<hbm>>
      %dma_start3A_104 = tpu.memref_squeeze %dma_start3A_103 : memref<1x50x128xi32, #tpu.memory_space<hbm>> -> memref<50x128xi32, #tpu.memory_space<hbm>>
      %dma_start3A_105 = arith.constant 0 : i32
      %dma_start3A_106 = arith.constant 0 : i32
      %dma_start3A_107 = tpu.memref_slice %arg2[%add3A, %dma_start3A_105, %dma_start3A_106] : memref<32x50x128xi32, #tpu.memory_space<hbm>> -> memref<1x50x128xi32, #tpu.memory_space<hbm>>
      %dma_start3A_108 = tpu.memref_squeeze %dma_start3A_107 : memref<1x50x128xi32, #tpu.memory_space<hbm>> -> memref<50x128xi32, #tpu.memory_space<hbm>>
      tpu.enqueue_dma source(%dma_start3A_108 : memref<50x128xi32, #tpu.memory_space<hbm>>) target(%arg7 : memref<50x128xi32, #tpu.memory_space<vmem>>) target_semaphore(%run_scoped3A : memref<!tpu.dma_semaphore, #tpu.memory_space<semaphore_mem>>)
      %dma_wait3A_109 = arith.constant 0 : i32
      %dma_wait3A_110 = arith.constant 0 : i32
      %dma_wait3A_111 = tpu.memref_slice %arg2[%add3A, %dma_wait3A_109, %dma_wait3A_110] : memref<32x50x128xi32, #tpu.memory_space<hbm>> -> memref<1x50x128xi32, #tpu.memory_space<hbm>>
      %dma_wait3A_112 = tpu.memref_squeeze %dma_wait3A_111 : memref<1x50x128xi32, #tpu.memory_space<hbm>> -> memref<50x128xi32, #tpu.memory_space<hbm>>
      %dma_wait3A_113 = arith.constant 0 : i32
      %dma_wait3A_114 = arith.constant 0 : i32
      %dma_wait3A_115 = tpu.memref_slice %arg2[%add3A, %dma_wait3A_113, %dma_wait3A_114] : memref<32x50x128xi32, #tpu.memory_space<hbm>> -> memref<1x50x128xi32, #tpu.memory_space<hbm>>
      %dma_wait3A_116 = tpu.memref_squeeze %dma_wait3A_115 : memref<1x50x128xi32, #tpu.memory_space<hbm>> -> memref<50x128xi32, #tpu.memory_space<hbm>>
      tpu.wait_dma2 semaphore(%run_scoped3A : memref<!tpu.dma_semaphore, #tpu.memory_space<semaphore_mem>>) src(%dma_wait3A_116 : memref<50x128xi32, #tpu.memory_space<hbm>>) dst(%arg7 : memref<50x128xi32, #tpu.memory_space<vmem>>)
      tpu.yield
    }) : () -> ()
    %dma_start3A = arith.constant 0 : i32
    %dma_start3A_3 = arith.constant 0 : i32
    %dma_start3A_4 = tpu.memref_slice %arg7[%dma_start3A, %dma_start3A_3] : memref<50x128xi32, #tpu.memory_space<vmem>> -> memref<1x128xi32, #tpu.memory_space<vmem>>
    %dma_start3A_5 = tpu.memref_squeeze %dma_start3A_4 : memref<1x128xi32, #tpu.memory_space<vmem>> -> memref<128xi32, #tpu.memory_space<vmem>>
    %dma_start3A_6 = arith.constant 0 : i32
    %dma_start3A_7 = arith.constant 0 : i32
    %dma_start3A_8 = tpu.memref_slice %arg3[%dma_start3A_6, %dma_start3A_7] : memref<100000x64xf32, #tpu.memory_space<hbm>> -> memref<100000x64xf32, #tpu.memory_space<hbm>>
    tpu.enqueue_indirect_dma source(%dma_start3A_8 : memref<100000x64xf32, #tpu.memory_space<hbm>>) target(%arg8 : memref<128x64xf32, #tpu.memory_space<vmem>>) offsets(%dma_start3A_5 : memref<128xi32, #tpu.memory_space<vmem>>) semaphore(%arg12 : memref<!tpu.dma_semaphore, #tpu.memory_space<semaphore_mem>>)
    %dma_start3A_9 = arith.constant 0 : i32
    %dma_start3A_10 = arith.constant 0 : i32
    %dma_start3A_11 = tpu.memref_slice %arg7[%dma_start3A_9, %dma_start3A_10] : memref<50x128xi32, #tpu.memory_space<vmem>> -> memref<1x128xi32, #tpu.memory_space<vmem>>
    %dma_start3A_12 = tpu.memref_squeeze %dma_start3A_11 : memref<1x128xi32, #tpu.memory_space<vmem>> -> memref<128xi32, #tpu.memory_space<vmem>>
    %dma_start3A_13 = arith.constant 0 : i32
    %dma_start3A_14 = arith.constant 0 : i32
    %dma_start3A_15 = tpu.memref_slice %arg4[%dma_start3A_13, %dma_start3A_14] : memref<100000x64xf32, #tpu.memory_space<hbm>> -> memref<100000x64xf32, #tpu.memory_space<hbm>>
    tpu.enqueue_indirect_dma source(%dma_start3A_15 : memref<100000x64xf32, #tpu.memory_space<hbm>>) target(%arg9 : memref<128x64xf32, #tpu.memory_space<vmem>>) offsets(%dma_start3A_12 : memref<128xi32, #tpu.memory_space<vmem>>) semaphore(%arg12 : memref<!tpu.dma_semaphore, #tpu.memory_space<semaphore_mem>>)
    %dma_wait3A = arith.constant 0 : i32
    %dma_wait3A_16 = arith.constant 0 : i32
    %dma_wait3A_17 = tpu.memref_slice %arg7[%dma_wait3A, %dma_wait3A_16] : memref<50x128xi32, #tpu.memory_space<vmem>> -> memref<1x128xi32, #tpu.memory_space<vmem>>
    %dma_wait3A_18 = tpu.memref_squeeze %dma_wait3A_17 : memref<1x128xi32, #tpu.memory_space<vmem>> -> memref<128xi32, #tpu.memory_space<vmem>>
    %dma_wait3A_19 = arith.constant 0 : i32
    %dma_wait3A_20 = arith.constant 0 : i32
    %dma_wait3A_21 = tpu.memref_slice %arg3[%dma_wait3A_19, %dma_wait3A_20] : memref<100000x64xf32, #tpu.memory_space<hbm>> -> memref<100000x64xf32, #tpu.memory_space<hbm>>
    tpu.wait_indirect_dma semaphore(%arg12 : memref<!tpu.dma_semaphore, #tpu.memory_space<semaphore_mem>>) src(%dma_wait3A_21 : memref<100000x64xf32, #tpu.memory_space<hbm>>) dst(%arg8 : memref<128x64xf32, #tpu.memory_space<vmem>>)
    %dma_wait3A_22 = arith.constant 0 : i32
    %dma_wait3A_23 = arith.constant 0 : i32
    %dma_wait3A_24 = tpu.memref_slice %arg7[%dma_wait3A_22, %dma_wait3A_23] : memref<50x128xi32, #tpu.memory_space<vmem>> -> memref<1x128xi32, #tpu.memory_space<vmem>>
    %dma_wait3A_25 = tpu.memref_squeeze %dma_wait3A_24 : memref<1x128xi32, #tpu.memory_space<vmem>> -> memref<128xi32, #tpu.memory_space<vmem>>
    %dma_wait3A_26 = arith.constant 0 : i32
    %dma_wait3A_27 = arith.constant 0 : i32
    %dma_wait3A_28 = tpu.memref_slice %arg4[%dma_wait3A_26, %dma_wait3A_27] : memref<100000x64xf32, #tpu.memory_space<hbm>> -> memref<100000x64xf32, #tpu.memory_space<hbm>>
    tpu.wait_indirect_dma semaphore(%arg12 : memref<!tpu.dma_semaphore, #tpu.memory_space<semaphore_mem>>) src(%dma_wait3A_28 : memref<100000x64xf32, #tpu.memory_space<hbm>>) dst(%arg9 : memref<128x64xf32, #tpu.memory_space<vmem>>)
    %add3A_29 = arith.constant 0 : i32
    %add3A_30 = arith.addi %mul3A_2, %add3A_29 : i32
    %dma_start3A_31 = arith.constant 0 : i32
    %dma_start3A_32 = tpu.memref_slice %arg5[%add3A_30, %dma_start3A_31] : memref<204800x64xf32, #tpu.memory_space<hbm>> -> memref<128x64xf32, #tpu.memory_space<hbm>>
    %dma_start3A_33 = arith.constant 0 : i32
    %dma_start3A_34 = tpu.memref_slice %arg5[%add3A_30, %dma_start3A_33] : memref<204800x64xf32, #tpu.memory_space<hbm>> -> memref<128x64xf32, #tpu.memory_space<hbm>>
    tpu.enqueue_dma source(%arg8 : memref<128x64xf32, #tpu.memory_space<vmem>>) target(%dma_start3A_34 : memref<128x64xf32, #tpu.memory_space<hbm>>) target_semaphore(%arg14 : memref<!tpu.dma_semaphore, #tpu.memory_space<semaphore_mem>>)
    %dma_start3A_35 = arith.constant 0 : i32
    %dma_start3A_36 = tpu.memref_slice %arg6[%add3A_30, %dma_start3A_35] : memref<204800x64xf32, #tpu.memory_space<hbm>> -> memref<128x64xf32, #tpu.memory_space<hbm>>
    %dma_start3A_37 = arith.constant 0 : i32
    %dma_start3A_38 = tpu.memref_slice %arg6[%add3A_30, %dma_start3A_37] : memref<204800x64xf32, #tpu.memory_space<hbm>> -> memref<128x64xf32, #tpu.memory_space<hbm>>
    tpu.enqueue_dma source(%arg9 : memref<128x64xf32, #tpu.memory_space<vmem>>) target(%dma_start3A_38 : memref<128x64xf32, #tpu.memory_space<hbm>>) target_semaphore(%arg14 : memref<!tpu.dma_semaphore, #tpu.memory_space<semaphore_mem>>)
    %dma_start3A_39 = arith.constant 1 : i32
    %dma_start3A_40 = arith.constant 0 : i32
    %dma_start3A_41 = tpu.memref_slice %arg7[%dma_start3A_39, %dma_start3A_40] : memref<50x128xi32, #tpu.memory_space<vmem>> -> memref<1x128xi32, #tpu.memory_space<vmem>>
    %dma_start3A_42 = tpu.memref_squeeze %dma_start3A_41 : memref<1x128xi32, #tpu.memory_space<vmem>> -> memref<128xi32, #tpu.memory_space<vmem>>
    %dma_start3A_43 = arith.constant 0 : i32
    %dma_start3A_44 = arith.constant 0 : i32
    %dma_start3A_45 = tpu.memref_slice %arg3[%dma_start3A_43, %dma_start3A_44] : memref<100000x64xf32, #tpu.memory_space<hbm>> -> memref<100000x64xf32, #tpu.memory_space<hbm>>
    tpu.enqueue_indirect_dma source(%dma_start3A_45 : memref<100000x64xf32, #tpu.memory_space<hbm>>) target(%arg10 : memref<128x64xf32, #tpu.memory_space<vmem>>) offsets(%dma_start3A_42 : memref<128xi32, #tpu.memory_space<vmem>>) semaphore(%arg13 : memref<!tpu.dma_semaphore, #tpu.memory_space<semaphore_mem>>)
    %dma_start3A_46 = arith.constant 1 : i32
    %dma_start3A_47 = arith.constant 0 : i32
    %dma_start3A_48 = tpu.memref_slice %arg7[%dma_start3A_46, %dma_start3A_47] : memref<50x128xi32, #tpu.memory_space<vmem>> -> memref<1x128xi32, #tpu.memory_space<vmem>>
    %dma_start3A_49 = tpu.memref_squeeze %dma_start3A_48 : memref<1x128xi32, #tpu.memory_space<vmem>> -> memref<128xi32, #tpu.memory_space<vmem>>
    %dma_start3A_50 = arith.constant 0 : i32
    %dma_start3A_51 = arith.constant 0 : i32
    %dma_start3A_52 = tpu.memref_slice %arg4[%dma_start3A_50, %dma_start3A_51] : memref<100000x64xf32, #tpu.memory_space<hbm>> -> memref<100000x64xf32, #tpu.memory_space<hbm>>
    tpu.enqueue_indirect_dma source(%dma_start3A_52 : memref<100000x64xf32, #tpu.memory_space<hbm>>) target(%arg11 : memref<128x64xf32, #tpu.memory_space<vmem>>) offsets(%dma_start3A_49 : memref<128xi32, #tpu.memory_space<vmem>>) semaphore(%arg13 : memref<!tpu.dma_semaphore, #tpu.memory_space<semaphore_mem>>)
    %scan3A = arith.constant 0 : i32
    %scan3A_53 = arith.constant 24 : i32
    %scan3A_54 = arith.addi %scan3A, %scan3A_53 : i32
    %scan3A_55 = arith.constant 1 : i32
    scf.for %scan3A_101 = %scan3A to %scan3A_54 step %scan3A_55  : i32 {
      %mul3A_102 = arith.constant 2 : i32
      %mul3A_103 = arith.muli %mul3A_102, %scan3A_101 : i32
      %add3A_104 = arith.constant 1 : i32
      %add3A_105 = arith.addi %mul3A_103, %add3A_104 : i32
      %dma_wait3A_106 = arith.constant 0 : i32
      %dma_wait3A_107 = tpu.memref_slice %arg7[%add3A_105, %dma_wait3A_106] : memref<50x128xi32, #tpu.memory_space<vmem>> -> memref<1x128xi32, #tpu.memory_space<vmem>>
      %dma_wait3A_108 = tpu.memref_squeeze %dma_wait3A_107 : memref<1x128xi32, #tpu.memory_space<vmem>> -> memref<128xi32, #tpu.memory_space<vmem>>
      %dma_wait3A_109 = arith.constant 0 : i32
      %dma_wait3A_110 = arith.constant 0 : i32
      %dma_wait3A_111 = tpu.memref_slice %arg3[%dma_wait3A_109, %dma_wait3A_110] : memref<100000x64xf32, #tpu.memory_space<hbm>> -> memref<100000x64xf32, #tpu.memory_space<hbm>>
      tpu.wait_indirect_dma semaphore(%arg13 : memref<!tpu.dma_semaphore, #tpu.memory_space<semaphore_mem>>) src(%dma_wait3A_111 : memref<100000x64xf32, #tpu.memory_space<hbm>>) dst(%arg10 : memref<128x64xf32, #tpu.memory_space<vmem>>)
      %dma_wait3A_112 = arith.constant 0 : i32
      %dma_wait3A_113 = tpu.memref_slice %arg7[%add3A_105, %dma_wait3A_112] : memref<50x128xi32, #tpu.memory_space<vmem>> -> memref<1x128xi32, #tpu.memory_space<vmem>>
      %dma_wait3A_114 = tpu.memref_squeeze %dma_wait3A_113 : memref<1x128xi32, #tpu.memory_space<vmem>> -> memref<128xi32, #tpu.memory_space<vmem>>
      %dma_wait3A_115 = arith.constant 0 : i32
      %dma_wait3A_116 = arith.constant 0 : i32
      %dma_wait3A_117 = tpu.memref_slice %arg4[%dma_wait3A_115, %dma_wait3A_116] : memref<100000x64xf32, #tpu.memory_space<hbm>> -> memref<100000x64xf32, #tpu.memory_space<hbm>>
      tpu.wait_indirect_dma semaphore(%arg13 : memref<!tpu.dma_semaphore, #tpu.memory_space<semaphore_mem>>) src(%dma_wait3A_117 : memref<100000x64xf32, #tpu.memory_space<hbm>>) dst(%arg11 : memref<128x64xf32, #tpu.memory_space<vmem>>)
      %mul3A_118 = arith.constant 128 : i32
      %mul3A_119 = arith.muli %add3A_105, %mul3A_118 : i32
      %add3A_120 = arith.addi %mul3A_2, %mul3A_119 : i32
      %dma_start3A_121 = arith.constant 0 : i32
      %dma_start3A_122 = tpu.memref_slice %arg5[%add3A_120, %dma_start3A_121] : memref<204800x64xf32, #tpu.memory_space<hbm>> -> memref<128x64xf32, #tpu.memory_space<hbm>>
      %dma_start3A_123 = arith.constant 0 : i32
      %dma_start3A_124 = tpu.memref_slice %arg5[%add3A_120, %dma_start3A_123] : memref<204800x64xf32, #tpu.memory_space<hbm>> -> memref<128x64xf32, #tpu.memory_space<hbm>>
      tpu.enqueue_dma source(%arg10 : memref<128x64xf32, #tpu.memory_space<vmem>>) target(%dma_start3A_124 : memref<128x64xf32, #tpu.memory_space<hbm>>) target_semaphore(%arg15 : memref<!tpu.dma_semaphore, #tpu.memory_space<semaphore_mem>>)
      %dma_start3A_125 = arith.constant 0 : i32
      %dma_start3A_126 = tpu.memref_slice %arg6[%add3A_120, %dma_start3A_125] : memref<204800x64xf32, #tpu.memory_space<hbm>> -> memref<128x64xf32, #tpu.memory_space<hbm>>
      %dma_start3A_127 = arith.constant 0 : i32
      %dma_start3A_128 = tpu.memref_slice %arg6[%add3A_120, %dma_start3A_127] : memref<204800x64xf32, #tpu.memory_space<hbm>> -> memref<128x64xf32, #tpu.memory_space<hbm>>
      tpu.enqueue_dma source(%arg11 : memref<128x64xf32, #tpu.memory_space<vmem>>) target(%dma_start3A_128 : memref<128x64xf32, #tpu.memory_space<hbm>>) target_semaphore(%arg15 : memref<!tpu.dma_semaphore, #tpu.memory_space<semaphore_mem>>)
      %sub3A = arith.constant 1 : i32
      %sub3A_129 = arith.subi %add3A_105, %sub3A : i32
      %mul3A_130 = arith.constant 128 : i32
      %mul3A_131 = arith.muli %sub3A_129, %mul3A_130 : i32
      %add3A_132 = arith.addi %mul3A_2, %mul3A_131 : i32
      %dma_wait3A_133 = arith.constant 0 : i32
      %dma_wait3A_134 = tpu.memref_slice %arg5[%add3A_132, %dma_wait3A_133] : memref<204800x64xf32, #tpu.memory_space<hbm>> -> memref<128x64xf32, #tpu.memory_space<hbm>>
      %dma_wait3A_135 = arith.constant 0 : i32
      %dma_wait3A_136 = tpu.memref_slice %arg5[%add3A_132, %dma_wait3A_135] : memref<204800x64xf32, #tpu.memory_space<hbm>> -> memref<128x64xf32, #tpu.memory_space<hbm>>
      tpu.wait_dma2 semaphore(%arg14 : memref<!tpu.dma_semaphore, #tpu.memory_space<semaphore_mem>>) src(%arg8 : memref<128x64xf32, #tpu.memory_space<vmem>>) dst(%dma_wait3A_136 : memref<128x64xf32, #tpu.memory_space<hbm>>)
      %dma_wait3A_137 = arith.constant 0 : i32
      %dma_wait3A_138 = tpu.memref_slice %arg6[%add3A_132, %dma_wait3A_137] : memref<204800x64xf32, #tpu.memory_space<hbm>> -> memref<128x64xf32, #tpu.memory_space<hbm>>
      %dma_wait3A_139 = arith.constant 0 : i32
      %dma_wait3A_140 = tpu.memref_slice %arg6[%add3A_132, %dma_wait3A_139] : memref<204800x64xf32, #tpu.memory_space<hbm>> -> memref<128x64xf32, #tpu.memory_space<hbm>>
      tpu.wait_dma2 semaphore(%arg14 : memref<!tpu.dma_semaphore, #tpu.memory_space<semaphore_mem>>) src(%arg9 : memref<128x64xf32, #tpu.memory_space<vmem>>) dst(%dma_wait3A_140 : memref<128x64xf32, #tpu.memory_space<hbm>>)
      %add3A_141 = arith.constant 1 : i32
      %add3A_142 = arith.addi %add3A_105, %add3A_141 : i32
      %dma_start3A_143 = arith.constant 0 : i32
      %dma_start3A_144 = tpu.memref_slice %arg7[%add3A_142, %dma_start3A_143] : memref<50x128xi32, #tpu.memory_space<vmem>> -> memref<1x128xi32, #tpu.memory_space<vmem>>
      %dma_start3A_145 = tpu.memref_squeeze %dma_start3A_144 : memref<1x128xi32, #tpu.memory_space<vmem>> -> memref<128xi32, #tpu.memory_space<vmem>>
      %dma_start3A_146 = arith.constant 0 : i32
      %dma_start3A_147 = arith.constant 0 : i32
      %dma_start3A_148 = tpu.memref_slice %arg3[%dma_start3A_146, %dma_start3A_147] : memref<100000x64xf32, #tpu.memory_space<hbm>> -> memref<100000x64xf32, #tpu.memory_space<hbm>>
      tpu.enqueue_indirect_dma source(%dma_start3A_148 : memref<100000x64xf32, #tpu.memory_space<hbm>>) target(%arg8 : memref<128x64xf32, #tpu.memory_space<vmem>>) offsets(%dma_start3A_145 : memref<128xi32, #tpu.memory_space<vmem>>) semaphore(%arg12 : memref<!tpu.dma_semaphore, #tpu.memory_space<semaphore_mem>>)
      %dma_start3A_149 = arith.constant 0 : i32
      %dma_start3A_150 = tpu.memref_slice %arg7[%add3A_142, %dma_start3A_149] : memref<50x128xi32, #tpu.memory_space<vmem>> -> memref<1x128xi32, #tpu.memory_space<vmem>>
      %dma_start3A_151 = tpu.memref_squeeze %dma_start3A_150 : memref<1x128xi32, #tpu.memory_space<vmem>> -> memref<128xi32, #tpu.memory_space<vmem>>
      %dma_start3A_152 = arith.constant 0 : i32
      %dma_start3A_153 = arith.constant 0 : i32
      %dma_start3A_154 = tpu.memref_slice %arg4[%dma_start3A_152, %dma_start3A_153] : memref<100000x64xf32, #tpu.memory_space<hbm>> -> memref<100000x64xf32, #tpu.memory_space<hbm>>
      tpu.enqueue_indirect_dma source(%dma_start3A_154 : memref<100000x64xf32, #tpu.memory_space<hbm>>) target(%arg9 : memref<128x64xf32, #tpu.memory_space<vmem>>) offsets(%dma_start3A_151 : memref<128xi32, #tpu.memory_space<vmem>>) semaphore(%arg12 : memref<!tpu.dma_semaphore, #tpu.memory_space<semaphore_mem>>)
      %mul3A_155 = arith.constant 2 : i32
      %mul3A_156 = arith.muli %mul3A_155, %scan3A_101 : i32
      %add3A_157 = arith.constant 2 : i32
      %add3A_158 = arith.addi %mul3A_156, %add3A_157 : i32
      %dma_wait3A_159 = arith.constant 0 : i32
      %dma_wait3A_160 = tpu.memref_slice %arg7[%add3A_158, %dma_wait3A_159] : memref<50x128xi32, #tpu.memory_space<vmem>> -> memref<1x128xi32, #tpu.memory_space<vmem>>
      %dma_wait3A_161 = tpu.memref_squeeze %dma_wait3A_160 : memref<1x128xi32, #tpu.memory_space<vmem>> -> memref<128xi32, #tpu.memory_space<vmem>>
      %dma_wait3A_162 = arith.constant 0 : i32
      %dma_wait3A_163 = arith.constant 0 : i32
      %dma_wait3A_164 = tpu.memref_slice %arg3[%dma_wait3A_162, %dma_wait3A_163] : memref<100000x64xf32, #tpu.memory_space<hbm>> -> memref<100000x64xf32, #tpu.memory_space<hbm>>
      tpu.wait_indirect_dma semaphore(%arg12 : memref<!tpu.dma_semaphore, #tpu.memory_space<semaphore_mem>>) src(%dma_wait3A_164 : memref<100000x64xf32, #tpu.memory_space<hbm>>) dst(%arg8 : memref<128x64xf32, #tpu.memory_space<vmem>>)
      %dma_wait3A_165 = arith.constant 0 : i32
      %dma_wait3A_166 = tpu.memref_slice %arg7[%add3A_158, %dma_wait3A_165] : memref<50x128xi32, #tpu.memory_space<vmem>> -> memref<1x128xi32, #tpu.memory_space<vmem>>
      %dma_wait3A_167 = tpu.memref_squeeze %dma_wait3A_166 : memref<1x128xi32, #tpu.memory_space<vmem>> -> memref<128xi32, #tpu.memory_space<vmem>>
      %dma_wait3A_168 = arith.constant 0 : i32
      %dma_wait3A_169 = arith.constant 0 : i32
      %dma_wait3A_170 = tpu.memref_slice %arg4[%dma_wait3A_168, %dma_wait3A_169] : memref<100000x64xf32, #tpu.memory_space<hbm>> -> memref<100000x64xf32, #tpu.memory_space<hbm>>
      tpu.wait_indirect_dma semaphore(%arg12 : memref<!tpu.dma_semaphore, #tpu.memory_space<semaphore_mem>>) src(%dma_wait3A_170 : memref<100000x64xf32, #tpu.memory_space<hbm>>) dst(%arg9 : memref<128x64xf32, #tpu.memory_space<vmem>>)
      %mul3A_171 = arith.constant 128 : i32
      %mul3A_172 = arith.muli %add3A_158, %mul3A_171 : i32
      %add3A_173 = arith.addi %mul3A_2, %mul3A_172 : i32
      %dma_start3A_174 = arith.constant 0 : i32
      %dma_start3A_175 = tpu.memref_slice %arg5[%add3A_173, %dma_start3A_174] : memref<204800x64xf32, #tpu.memory_space<hbm>> -> memref<128x64xf32, #tpu.memory_space<hbm>>
      %dma_start3A_176 = arith.constant 0 : i32
      %dma_start3A_177 = tpu.memref_slice %arg5[%add3A_173, %dma_start3A_176] : memref<204800x64xf32, #tpu.memory_space<hbm>> -> memref<128x64xf32, #tpu.memory_space<hbm>>
      tpu.enqueue_dma source(%arg8 : memref<128x64xf32, #tpu.memory_space<vmem>>) target(%dma_start3A_177 : memref<128x64xf32, #tpu.memory_space<hbm>>) target_semaphore(%arg14 : memref<!tpu.dma_semaphore, #tpu.memory_space<semaphore_mem>>)
      %dma_start3A_178 = arith.constant 0 : i32
      %dma_start3A_179 = tpu.memref_slice %arg6[%add3A_173, %dma_start3A_178] : memref<204800x64xf32, #tpu.memory_space<hbm>> -> memref<128x64xf32, #tpu.memory_space<hbm>>
      %dma_start3A_180 = arith.constant 0 : i32
      %dma_start3A_181 = tpu.memref_slice %arg6[%add3A_173, %dma_start3A_180] : memref<204800x64xf32, #tpu.memory_space<hbm>> -> memref<128x64xf32, #tpu.memory_space<hbm>>
      tpu.enqueue_dma source(%arg9 : memref<128x64xf32, #tpu.memory_space<vmem>>) target(%dma_start3A_181 : memref<128x64xf32, #tpu.memory_space<hbm>>) target_semaphore(%arg14 : memref<!tpu.dma_semaphore, #tpu.memory_space<semaphore_mem>>)
      %sub3A_182 = arith.constant 1 : i32
      %sub3A_183 = arith.subi %add3A_158, %sub3A_182 : i32
      %mul3A_184 = arith.constant 128 : i32
      %mul3A_185 = arith.muli %sub3A_183, %mul3A_184 : i32
      %add3A_186 = arith.addi %mul3A_2, %mul3A_185 : i32
      %dma_wait3A_187 = arith.constant 0 : i32
      %dma_wait3A_188 = tpu.memref_slice %arg5[%add3A_186, %dma_wait3A_187] : memref<204800x64xf32, #tpu.memory_space<hbm>> -> memref<128x64xf32, #tpu.memory_space<hbm>>
      %dma_wait3A_189 = arith.constant 0 : i32
      %dma_wait3A_190 = tpu.memref_slice %arg5[%add3A_186, %dma_wait3A_189] : memref<204800x64xf32, #tpu.memory_space<hbm>> -> memref<128x64xf32, #tpu.memory_space<hbm>>
      tpu.wait_dma2 semaphore(%arg15 : memref<!tpu.dma_semaphore, #tpu.memory_space<semaphore_mem>>) src(%arg10 : memref<128x64xf32, #tpu.memory_space<vmem>>) dst(%dma_wait3A_190 : memref<128x64xf32, #tpu.memory_space<hbm>>)
      %dma_wait3A_191 = arith.constant 0 : i32
      %dma_wait3A_192 = tpu.memref_slice %arg6[%add3A_186, %dma_wait3A_191] : memref<204800x64xf32, #tpu.memory_space<hbm>> -> memref<128x64xf32, #tpu.memory_space<hbm>>
      %dma_wait3A_193 = arith.constant 0 : i32
      %dma_wait3A_194 = tpu.memref_slice %arg6[%add3A_186, %dma_wait3A_193] : memref<204800x64xf32, #tpu.memory_space<hbm>> -> memref<128x64xf32, #tpu.memory_space<hbm>>
      tpu.wait_dma2 semaphore(%arg15 : memref<!tpu.dma_semaphore, #tpu.memory_space<semaphore_mem>>) src(%arg11 : memref<128x64xf32, #tpu.memory_space<vmem>>) dst(%dma_wait3A_194 : memref<128x64xf32, #tpu.memory_space<hbm>>)
      %add3A_195 = arith.constant 1 : i32
      %add3A_196 = arith.addi %add3A_158, %add3A_195 : i32
      %dma_start3A_197 = arith.constant 0 : i32
      %dma_start3A_198 = tpu.memref_slice %arg7[%add3A_196, %dma_start3A_197] : memref<50x128xi32, #tpu.memory_space<vmem>> -> memref<1x128xi32, #tpu.memory_space<vmem>>
      %dma_start3A_199 = tpu.memref_squeeze %dma_start3A_198 : memref<1x128xi32, #tpu.memory_space<vmem>> -> memref<128xi32, #tpu.memory_space<vmem>>
      %dma_start3A_200 = arith.constant 0 : i32
      %dma_start3A_201 = arith.constant 0 : i32
      %dma_start3A_202 = tpu.memref_slice %arg3[%dma_start3A_200, %dma_start3A_201] : memref<100000x64xf32, #tpu.memory_space<hbm>> -> memref<100000x64xf32, #tpu.memory_space<hbm>>
      tpu.enqueue_indirect_dma source(%dma_start3A_202 : memref<100000x64xf32, #tpu.memory_space<hbm>>) target(%arg10 : memref<128x64xf32, #tpu.memory_space<vmem>>) offsets(%dma_start3A_199 : memref<128xi32, #tpu.memory_space<vmem>>) semaphore(%arg13 : memref<!tpu.dma_semaphore, #tpu.memory_space<semaphore_mem>>)
      %dma_start3A_203 = arith.constant 0 : i32
      %dma_start3A_204 = tpu.memref_slice %arg7[%add3A_196, %dma_start3A_203] : memref<50x128xi32, #tpu.memory_space<vmem>> -> memref<1x128xi32, #tpu.memory_space<vmem>>
      %dma_start3A_205 = tpu.memref_squeeze %dma_start3A_204 : memref<1x128xi32, #tpu.memory_space<vmem>> -> memref<128xi32, #tpu.memory_space<vmem>>
      %dma_start3A_206 = arith.constant 0 : i32
      %dma_start3A_207 = arith.constant 0 : i32
      %dma_start3A_208 = tpu.memref_slice %arg4[%dma_start3A_206, %dma_start3A_207] : memref<100000x64xf32, #tpu.memory_space<hbm>> -> memref<100000x64xf32, #tpu.memory_space<hbm>>
      tpu.enqueue_indirect_dma source(%dma_start3A_208 : memref<100000x64xf32, #tpu.memory_space<hbm>>) target(%arg11 : memref<128x64xf32, #tpu.memory_space<vmem>>) offsets(%dma_start3A_205 : memref<128xi32, #tpu.memory_space<vmem>>) semaphore(%arg13 : memref<!tpu.dma_semaphore, #tpu.memory_space<semaphore_mem>>)
    }
    %scan3A_56 = arith.constant 24 : i32
    %dma_wait3A_57 = arith.constant 49 : i32
    %dma_wait3A_58 = arith.constant 0 : i32
    %dma_wait3A_59 = tpu.memref_slice %arg7[%dma_wait3A_57, %dma_wait3A_58] : memref<50x128xi32, #tpu.memory_space<vmem>> -> memref<1x128xi32, #tpu.memory_space<vmem>>
    %dma_wait3A_60 = tpu.memref_squeeze %dma_wait3A_59 : memref<1x128xi32, #tpu.memory_space<vmem>> -> memref<128xi32, #tpu.memory_space<vmem>>
    %dma_wait3A_61 = arith.constant 0 : i32
    %dma_wait3A_62 = arith.constant 0 : i32
    %dma_wait3A_63 = tpu.memref_slice %arg3[%dma_wait3A_61, %dma_wait3A_62] : memref<100000x64xf32, #tpu.memory_space<hbm>> -> memref<100000x64xf32, #tpu.memory_space<hbm>>
    tpu.wait_indirect_dma semaphore(%arg13 : memref<!tpu.dma_semaphore, #tpu.memory_space<semaphore_mem>>) src(%dma_wait3A_63 : memref<100000x64xf32, #tpu.memory_space<hbm>>) dst(%arg10 : memref<128x64xf32, #tpu.memory_space<vmem>>)
    %dma_wait3A_64 = arith.constant 49 : i32
    %dma_wait3A_65 = arith.constant 0 : i32
    %dma_wait3A_66 = tpu.memref_slice %arg7[%dma_wait3A_64, %dma_wait3A_65] : memref<50x128xi32, #tpu.memory_space<vmem>> -> memref<1x128xi32, #tpu.memory_space<vmem>>
    %dma_wait3A_67 = tpu.memref_squeeze %dma_wait3A_66 : memref<1x128xi32, #tpu.memory_space<vmem>> -> memref<128xi32, #tpu.memory_space<vmem>>
    %dma_wait3A_68 = arith.constant 0 : i32
    %dma_wait3A_69 = arith.constant 0 : i32
    %dma_wait3A_70 = tpu.memref_slice %arg4[%dma_wait3A_68, %dma_wait3A_69] : memref<100000x64xf32, #tpu.memory_space<hbm>> -> memref<100000x64xf32, #tpu.memory_space<hbm>>
    tpu.wait_indirect_dma semaphore(%arg13 : memref<!tpu.dma_semaphore, #tpu.memory_space<semaphore_mem>>) src(%dma_wait3A_70 : memref<100000x64xf32, #tpu.memory_space<hbm>>) dst(%arg11 : memref<128x64xf32, #tpu.memory_space<vmem>>)
    %add3A_71 = arith.constant 6272 : i32
    %add3A_72 = arith.addi %mul3A_2, %add3A_71 : i32
    %dma_start3A_73 = arith.constant 0 : i32
    %dma_start3A_74 = tpu.memref_slice %arg5[%add3A_72, %dma_start3A_73] : memref<204800x64xf32, #tpu.memory_space<hbm>> -> memref<128x64xf32, #tpu.memory_space<hbm>>
    %dma_start3A_75 = arith.constant 0 : i32
    %dma_start3A_76 = tpu.memref_slice %arg5[%add3A_72, %dma_start3A_75] : memref<204800x64xf32, #tpu.memory_space<hbm>> -> memref<128x64xf32, #tpu.memory_space<hbm>>
    tpu.enqueue_dma source(%arg10 : memref<128x64xf32, #tpu.memory_space<vmem>>) target(%dma_start3A_76 : memref<128x64xf32, #tpu.memory_space<hbm>>) target_semaphore(%arg15 : memref<!tpu.dma_semaphore, #tpu.memory_space<semaphore_mem>>)
    %dma_start3A_77 = arith.constant 0 : i32
    %dma_start3A_78 = tpu.memref_slice %arg6[%add3A_72, %dma_start3A_77] : memref<204800x64xf32, #tpu.memory_space<hbm>> -> memref<128x64xf32, #tpu.memory_space<hbm>>
    %dma_start3A_79 = arith.constant 0 : i32
    %dma_start3A_80 = tpu.memref_slice %arg6[%add3A_72, %dma_start3A_79] : memref<204800x64xf32, #tpu.memory_space<hbm>> -> memref<128x64xf32, #tpu.memory_space<hbm>>
    tpu.enqueue_dma source(%arg11 : memref<128x64xf32, #tpu.memory_space<vmem>>) target(%dma_start3A_80 : memref<128x64xf32, #tpu.memory_space<hbm>>) target_semaphore(%arg15 : memref<!tpu.dma_semaphore, #tpu.memory_space<semaphore_mem>>)
    %add3A_81 = arith.constant 6144 : i32
    %add3A_82 = arith.addi %mul3A_2, %add3A_81 : i32
    %dma_wait3A_83 = arith.constant 0 : i32
    %dma_wait3A_84 = tpu.memref_slice %arg5[%add3A_82, %dma_wait3A_83] : memref<204800x64xf32, #tpu.memory_space<hbm>> -> memref<128x64xf32, #tpu.memory_space<hbm>>
    %dma_wait3A_85 = arith.constant 0 : i32
    %dma_wait3A_86 = tpu.memref_slice %arg5[%add3A_82, %dma_wait3A_85] : memref<204800x64xf32, #tpu.memory_space<hbm>> -> memref<128x64xf32, #tpu.memory_space<hbm>>
    tpu.wait_dma2 semaphore(%arg14 : memref<!tpu.dma_semaphore, #tpu.memory_space<semaphore_mem>>) src(%arg8 : memref<128x64xf32, #tpu.memory_space<vmem>>) dst(%dma_wait3A_86 : memref<128x64xf32, #tpu.memory_space<hbm>>)
    %dma_wait3A_87 = arith.constant 0 : i32
    %dma_wait3A_88 = tpu.memref_slice %arg6[%add3A_82, %dma_wait3A_87] : memref<204800x64xf32, #tpu.memory_space<hbm>> -> memref<128x64xf32, #tpu.memory_space<hbm>>
    %dma_wait3A_89 = arith.constant 0 : i32
    %dma_wait3A_90 = tpu.memref_slice %arg6[%add3A_82, %dma_wait3A_89] : memref<204800x64xf32, #tpu.memory_space<hbm>> -> memref<128x64xf32, #tpu.memory_space<hbm>>
    tpu.wait_dma2 semaphore(%arg14 : memref<!tpu.dma_semaphore, #tpu.memory_space<semaphore_mem>>) src(%arg9 : memref<128x64xf32, #tpu.memory_space<vmem>>) dst(%dma_wait3A_90 : memref<128x64xf32, #tpu.memory_space<hbm>>)
    %add3A_91 = arith.constant 6272 : i32
    %add3A_92 = arith.addi %mul3A_2, %add3A_91 : i32
    %dma_wait3A_93 = arith.constant 0 : i32
    %dma_wait3A_94 = tpu.memref_slice %arg5[%add3A_92, %dma_wait3A_93] : memref<204800x64xf32, #tpu.memory_space<hbm>> -> memref<128x64xf32, #tpu.memory_space<hbm>>
    %dma_wait3A_95 = arith.constant 0 : i32
    %dma_wait3A_96 = tpu.memref_slice %arg5[%add3A_92, %dma_wait3A_95] : memref<204800x64xf32, #tpu.memory_space<hbm>> -> memref<128x64xf32, #tpu.memory_space<hbm>>
    tpu.wait_dma2 semaphore(%arg15 : memref<!tpu.dma_semaphore, #tpu.memory_space<semaphore_mem>>) src(%arg10 : memref<128x64xf32, #tpu.memory_space<vmem>>) dst(%dma_wait3A_96 : memref<128x64xf32, #tpu.memory_space<hbm>>)
    %dma_wait3A_97 = arith.constant 0 : i32
    %dma_wait3A_98 = tpu.memref_slice %arg6[%add3A_92, %dma_wait3A_97] : memref<204800x64xf32, #tpu.memory_space<hbm>> -> memref<128x64xf32, #tpu.memory_space<hbm>>
    %dma_wait3A_99 = arith.constant 0 : i32
    %dma_wait3A_100 = tpu.memref_slice %arg6[%add3A_92, %dma_wait3A_99] : memref<204800x64xf32, #tpu.memory_space<hbm>> -> memref<128x64xf32, #tpu.memory_space<hbm>>
    tpu.wait_dma2 semaphore(%arg15 : memref<!tpu.dma_semaphore, #tpu.memory_space<semaphore_mem>>) src(%arg11 : memref<128x64xf32, #tpu.memory_space<vmem>>) dst(%dma_wait3A_100 : memref<128x64xf32, #tpu.memory_space<hbm>>)
    return
  }
}

</mosaic_0001>

<sc_bundles>
// kernel: _gather.3.cloned.1.call-start
scs
__scs_entry_jumppad:
0x0: {  	(pc) =	sbr.rel $0x88, $3  }
0x1: {  	(tag) =	ssettag $0x0;
	lr =	simm.s32 $0x1  }
0x2: {  	[smem:$0x3F9E] =	sst lr;
	_ =	strace $0xD0000000  }
0x3: {  	_ = 	snop  }
0x4: {  	_ = 	snop  }
0x5: {  	_ = 	snop  }
0x6: {  	_ = 	snop  }
0x7: {  	_ = 	snop  }
__scs_overlays_trampoline_lowered:
0x8: {  	[smem:$0x3FAD] =	sst s0  }
0x9: {  	[smem:$0x3FAE] =	sst s1  }
0xa: {  	[smem:$0x3FAF] =	sst s2  }
0xb: {  	[smem:$0x3FB0] =	sst s3  }
0xc: {  	[smem:$0x3FB1] =	sst s4  }
0xd: {  	[smem:$0x3FB2] =	sst s5  }
0xe: {  	[smem:$0x3FB3] =	sst s6  }
0xf: {  	[smem:$0x3FB4] =	sst s7  }
0x10: {  	[smem:$0x3FB5] =	sst s8  }
0x11: {  	[smem:$0x3FB6] =	sst s9;
	s0 =	simm.s32 @!p0 $0x0  }
0x12: {  	s1 =	sld [smem:$0x3F9C];
	s0 =	simm.s32 @p0 $0x1  }
0x13: {  	[smem:$0x3FB7] =	sst s0;
	s0 =	simm.s32 @!p1 $0x0  }
0x14: {  	s2 =	sld [smem:$0x3F9B];
	s0 =	simm.s32 @p1 $0x1  }
0x15: {  	[smem:$0x3FB8] =	sst s0;
	s0 =	simm.s32 @!p2 $0x0  }
0x16: {  	s3 =	sld [smem:$0x3FDB];
	s0 =	simm.s32 @p2 $0x1  }
0x17: {  	s4 =	simm.s32 $0x1BF5;
	[smem:$0x3FBA] =	sst s0  }
0x18: {  	s0 =	sld [smem:$0x3F9D];
	_ =	swait.ge [sflag:s4], $0x0  }
0x19: {  	s7 =	sld [smem:$0x3F9E]  }
0x1a: {  	s8 =	sadd.s32 $0xFFFFE003, lr  }
0x1b: {  	s9 =	sadd.s32 $0xFFFFFEF7, lr;
	s5 =	simm.s32 $0xFFFFFFFF;
	p2 =	slt.u32 s8, $0xFFFFF086  }
0x1c: {  	p1 =	slt.u32 s9, $0xF7A;
	s5 =	simm.s32 @!p2 $0x0  }
0x1d: {  	s5 =	simm.s32 @p1 $0x1;
	p0 =	seq.s32 s7, s2  }
0x1e: {  	s7 =	smul.u32 @!p0 $0xF7A, s2;
	p2 =	seq.s32 @!p0 s5, $0x0  }
0x1f: {  	s9 =	smul.u32 $0xF7A, s1;
	s8 =	simm.s32 @!p0 $0x1BF5;
	p2 =	por !p2, p0  }
0x20: {  	[sflag:s8] =	ssyncset.s32 @!p0 $0xFFFFF086;
	s6 =	sadd.s32 @!p0 s3, s7;
	s7 =	simm.s32 @!p0 $0x108  }
0x21: {  	s3 =	sadd.s32 s3, s9;
	s6 =	sadd.s32 @!p0 $0x88, s6;
	s7 =	simm.s32 @p2 $0x1082  }
0x22: {  	[simem:s7], [sflag:s8] =	dma.local @!p0 [hbm:s6], $0xF7A  }
0x23: {  	s9 =	sor.u32 $0xD0000000, s2;
	s6 =	simm.s32 $0x108;
	_ =	swait.ge @!p0 [sflag:s8], $0x0  }
0x24: {  	s3 =	sadd.s32 $0x88, s3;
	s6 =	simm.s32 @!p1 $0x1082;
	[sflag:s4] =	ssyncset.s32 $0xFFFFF086  }
0x25: {  	[simem:s6], [sflag:s4] =	dma.local [hbm:s3], $0xF7A  }
0x26: {  	[smem:$0x3F9E] =	sst s1;
	(tag) =	ssettag s2;
	_ =	strace s9  }
0x27: {  	s1 =	sld [smem:$0x3FAE]  }
0x28: {  	s2 =	sld [smem:$0x3FAF]  }
0x29: {  	s4 =	sld [smem:$0x3FB1]  }
0x2a: {  	p0 =	seq.s32 s5, $0x0;
	s5 =	sld [smem:$0x3FB2]  }
0x2b: {  	s6 =	sld [smem:$0x3FB3]  }
0x2c: {  	s7 =	sld [smem:$0x3FB4]  }
0x2d: {  	s3 =	simm.s32 $0x108;
	s8 =	sld [smem:$0x3FB5]  }
0x2e: {  	s3 =	simm.s32 @!p0 $0x1082;
	s9 =	sld [smem:$0x3FB6]  }
0x2f: {  	lr =	sadd.s32 s0, s3;
	s0 =	sld [smem:$0x3FAD]  }
0x30: {  	s3 =	sld [smem:$0x3FB0]  }
0x31: {  	[smem:$0x3FB9] =	sst s10  }
0x32: {  	s10 =	sld [smem:$0x3FB7];
	_ =	sdelay $0x3  }
0x33: {  	p0 =	seq.s32 s10, $0x1;
	s10 =	sld [smem:$0x3FB9];
	_ =	sdelay $0x3  }
0x34: {  	[smem:$0x3FB9] =	sst s10  }
0x35: {  	s10 =	sld [smem:$0x3FB8];
	_ =	sdelay $0x3  }
0x36: {  	p1 =	seq.s32 s10, $0x1;
	s10 =	sld [smem:$0x3FB9];
	_ =	sdelay $0x3  }
0x37: {  	[smem:$0x3FB9] =	sst s10  }
0x38: {  	s10 =	sld [smem:$0x3FBA]  }
0x39: {  	_ = 	snop;
	(pc) =	sbr.ind lr, $3  }
0x3a: {  	_ = 	snop  }
0x3b: {  	_ = 	snop  }
0x3c: {  	p2 =	seq.s32 s10, $0x1;
	s10 =	sld [smem:$0x3FB9]  }
0x3d: {  	_ =	shalt  }
0x3e: {  	_ =	shalt  }
0x3f: {  	_ =	shalt  }
0x40: {  	_ =	shalt  }
0x41: {  	_ =	shalt  }
0x42: {  	_ =	shalt  }
0x43: {  	_ =	shalt  }
0x44: {  	_ =	shalt  }
0x45: {  	_ =	shalt  }
0x46: {  	_ =	shalt  }
0x47: {  	_ =	shalt  }
0x48: {  	_ =	shalt  }
0x49: {  	_ =	shalt  }
0x4a: {  	_ =	shalt  }
0x4b: {  	_ =	shalt  }
0x4c: {  	_ =	shalt  }
0x4d: {  	_ =	shalt  }
0x4e: {  	_ =	shalt  }
0x4f: {  	_ =	shalt  }
0x50: {  	_ =	shalt  }
0x51: {  	_ =	shalt  }
0x52: {  	_ =	shalt  }
0x53: {  	_ =	shalt  }
0x54: {  	_ =	shalt  }
0x55: {  	_ =	shalt  }
0x56: {  	_ =	shalt  }
0x57: {  	_ =	shalt  }
0x58: {  	_ =	shalt  }
0x59: {  	_ =	shalt  }
0x5a: {  	_ =	shalt  }
0x5b: {  	_ =	shalt  }
0x5c: {  	_ =	shalt  }
0x5d: {  	_ =	shalt  }
0x5e: {  	_ =	shalt  }
0x5f: {  	_ =	shalt  }
0x60: {  	_ =	shalt  }
0x61: {  	_ =	shalt  }
0x62: {  	_ =	shalt  }
0x63: {  	_ =	shalt  }
0x64: {  	_ =	shalt  }
0x65: {  	_ =	shalt  }
0x66: {  	_ =	shalt  }
0x67: {  	_ =	shalt  }
0x68: {  	_ =	shalt  }
0x69: {  	_ =	shalt  }
0x6a: {  	_ =	shalt  }
0x6b: {  	_ =	shalt  }
0x6c: {  	_ =	shalt  }
0x6d: {  	_ =	shalt  }
0x6e: {  	_ =	shalt  }
0x6f: {  	_ =	shalt  }
0x70: {  	_ =	shalt  }
0x71: {  	_ =	shalt  }
0x72: {  	_ =	shalt  }
0x73: {  	_ =	shalt  }
0x74: {  	_ =	shalt  }
0x75: {  	_ =	shalt  }
0x76: {  	_ =	shalt  }
0x77: {  	_ =	shalt  }
0x78: {  	_ =	shalt  }
0x79: {  	_ =	shalt  }
0x7a: {  	_ =	shalt  }
0x7b: {  	_ =	shalt  }
0x7c: {  	_ =	shalt  }
0x7d: {  	_ =	shalt  }
0x7e: {  	_ =	shalt  }
0x7f: {  	_ =	shalt  }
0x80: {  	_ =	shalt  }
0x81: {  	_ =	shalt  }
0x82: {  	_ =	shalt  }
0x83: {  	_ =	shalt  }
0x84: {  	_ =	shalt  }
0x85: {  	_ =	shalt  }
0x86: {  	_ =	shalt  }
0x87: {  	_ =	shalt  }
.Lfunc_end0:
.L_simem_size_0:
called_computation.2_lowered:
.L_overlay_start_0:
0x88: {  	s2 =	sld [smem:$0x3FD9]  }
0x89: {  	s3 =	sld [smem:$0x3FFE];
	_ =	sdelay $0x1  }
0x8a: {  	s1 =	srdreg.scid  }
0x8b: {  	s0 =	sand.u32 $0x1, s1  }
0x8c: {  	s14 =	sshll.u32 s0, $0xA;
	s2 =	sadd.s32 s3, s2  }
0x8d: {  	s2 =	sadd.s32 s2, s14  }
0x8e: {  	[smem:$0x3FC5] =	sst s2  }
0x8f: {  	_ = 	snop  }
0x90: {  	s2 =	sld [smem:$0x3FD0];
	_ =	sdelay $0x2  }
0x91: {  	s15 =	simm.s32 $0xB;
	s4 =	simm.s32 $0x10  }
0x92: {  	[smem:s4], [sflag:s15] =	dma.local [hbm:s2], $0x1  }
0x93: {  	_ =	swait.eq [sflag:s15], $0x1  }
0x94: {  	[sflag:s15] =	ssyncset.done $0x0  }
0x95: {  	s16 =	sld [smem:$0x10];
	[sflag:s15] =	ssyncadd.s32 $0xFFFFFFFF  }
0x96: {  	s17 =	sld [smem:$0x11];
	(tm) =	ssettm $0x1  }
0x97: {  	s18 =	sld [smem:$0x3FFB];
	_ =	sdelay $0x3  }
0x98: {  	_ =	strace s18  }
0x99: {  	s4 =	sld [smem:$0x3FFC];
	_ =	sdelay $0x3  }
0x9a: {  	_ =	strace s4  }
0x9b: {  	s4 =	sld [smem:$0x3FFD];
	_ =	sdelay $0x3  }
0x9c: {  	_ =	strace s4  }
0x9d: {  	_ =	strace $0x8FFFFFFF  }
0x9e: {  	s19 =	sld [smem:$0x3FDB];
	_ =	sdelay $0x1  }
0x9f: {  	s5 =	simm.s32 $_scs_section_size  }
0xa0: {  	s6 =	simm.s32 $_size__tile_overlayer_lowered;
	s7 =	simm.s32 $_tile_overlayer_lowered  }
0xa1: {  	s22 =	simm.s32 $0x1BFF;
	s21 =	sshll.u32 s7, $0x1;
	s4 =	sadd.s32 s5, s19  }
0xa2: {  	s8 =	simm.s32 $0x0;
	s20 =	sshll.u32 s6, $0x1;
	s6 =	sadd.s32 s21, s4  }
0xa3: {  	[timem:s8], [sflag:s22] =	dma.local [hbm:s6], s20  }
0xa4: {  	_ =	swait.ge [sflag:s22], s20  }
0xa5: {  	s5 =	ssub.s32 $0x0, s20;
	[sflag:s22] =	ssyncset.done $0x0  }
0xa6: {  	[sflag:s22] =	ssyncadd.s32 s5;
	_ =	sdelay $0x1  }
0xa7: {  	s23 =	simm.s32 $0x1B8B  }
0xa8: {  	_ =	swait.ge [sflag:s23], $0x1  }
0xa9: {  	[sflag:s23] =	ssyncset.done $0x0  }
0xaa: {  	s25 =	simm.s32 $0x1B8E;
	s24 =	sld [smem:$0x3FFE];
	[sflag:s23] =	ssyncadd.s32 $0xFFFFFFFF  }
0xab: {  	s26 =	simm.s32 $execute0_lowered;
	[smem:$0x3FD2] =	sst s25  }
0xac: {  	s6 =	sshll.u32 s26, $0x1;
	_ =	strace $0x80000046;
	[dreg:$0x1] =	wrdreg $0xFFFFFFFF  }
0xad: {  	s28 =	simm.s32 $_size_execute0_lowered;
	s4 =	sadd.s32 s4, s6;
	[dreg:$0x0] =	wrdreg $0x0  }
0xae: {  	s6 =	sshll.u32 s28, $0x1;
	[dreg:$0x2] =	wrdreg s4  }
0xaf: {  	[dreg:$0x3] =	wrdreg s6  }
0xb0: {  	[dreg:$0x4] =	wrdreg $0xC0  }
0xb1: {  	_ =	task [dreg:s8], $0x5FFFF  }
0xb2: {  	[dreg:$0x1] =	wrdreg $0xFFFFFFFF  }
0xb3: {  	[dreg:$0x0] =	wrdreg $0x60  }
0xb4: {  	[dreg:$0x2] =	wrdreg s24  }
0xb5: {  	[dreg:$0x3] =	wrdreg s16  }
0xb6: {  	[dreg:$0x4] =	wrdreg s17  }
0xb7: {  	[dreg:$0x5] =	wrdreg $0x9  }
0xb8: {  	_ =	task.clear_ibuf [dreg:s8], $0x6FFFF;
	_ =	strace $0x90000046  }
0xb9: {  	s29 =	simm.s32 $0x9;
	_ =	strace $0x80000048  }
0xba: {  	_ =	swait.ge [sflag:s29], $0x1  }
0xbb: {  	[sflag:s29] =	ssyncadd.s32 $0xFFFFFFFF  }
0xbc: {  	_ =	strace $0x90000048  }
0xbd: {  	_ =	sfence  }
0xbe: {  	s30 =	sld [smem:$0x0];
	_ =	sdelay $0x2  }
0xbf: {  	s31 =	sshll.u32 s1, $0xD;
	s1 =	sshrl.u32 s1, $0x2  }
0xc0: {  	s3 =	sand.u32 $0x4000, s31;
	s1 =	sadd.s32 s1, s30  }
0xc1: {  	s0 =	sor.u32 s3, s0;
	s1 =	sshll.u32 s1, $0x11  }
0xc2: {  	s0 =	sor.u32 s1, s0  }
0xc3: {  	s0 =	sadd.s32 $0x8F2B, s0  }
0xc4: {  	[sflag:s0] =	ssyncadd.remote.s32 $0x1  }
0xc5: {  	_ =	sfence.sel $0xFFFF  }
0xc6: {  	[dreg:$0x0] =	wrdreg $0xFFFFFFFF;
	(pc) =	sbr.abs _section_cstart, $3  }
0xc7: {  	[dreg:$0x1] =	wrdreg $0xFFFFFFFF  }
0xc8: {  	_ =	task.clear_ibuf [dreg:s8], $0x2FFFF;
	_ =	strace $0x9FFFFFFF  }
0xc9: {  	(tm) =	ssettm $0x7FFFFFFF  }
tec
execute0_lowered:
.L_overlay_start_1:
0x0: {  	(tag) =	ssettag $0x1  }
0x1: {  	s4 =	rddreg [dreg:$0x0]  }
0x2: {  	s1 =	srdreg.scid;
	s13 =	rddreg [dreg:$0x1]  }
0x3: {  	s0 =	stileid.u32;
	s14 =	rddreg [dreg:$0x2];
	s2 =	simm.s32 $0x0  }
0x4: {  	s16 =	simm.s32 $0x80;
	s17 =	simm.s32 $0x1900;
	s18 =	simm.s32 $0x3900  }
0x5: {  	s19 =	simm.s32 $0x1;
	s20 =	simm.s32 $0x5900;
	s21 =	simm.s32 $0x7900  }
0x6: {  	s22 =	simm.s32 $0x2;
	s23 =	simm.s32 $0x3;
	s24 =	simm.s32 $0x4  }
0x7: {  	s5 =	sand.u32 $0x1, s1;
	s30 =	sshll.u32 s0, $0x1;
	s11 =	smul.u32 $0x3200, s0  }
0x8: {  	s1 =	rddreg [dreg:$0x3];
	s3 =	sor.u32 s5, s30;
	s31 =	smul.u32 $0x1900, s5  }
0x9: {  	s25 =	simm.s32 $0x0;
	[smem:$0x7FF] =	sst s2;
	s6 =	smul.u32 $0x1900, s3  }
0xa: {  	_ =	strace $0x80000047;
	s8 =	ssub.s32 $0x2, s5;
	s7 =	smul.u32 $0xC800, s3  }
0xb: {  	s9 =	smul.u32 $0x64000, s3;
	s3 =	sadd.s32 $0xC6400, s4;
	s10 =	sshrl.u32 s8, $0x1  }
0xc: {  	s10 =	ssub.s32 s8, s10;
	s11 =	sadd.s32 s31, s11;
	s6 =	sshrl.u32 s6, $0x3  }
0xd: {  	s9 =	sshrl.u32 s9, $0x3;
	s11 =	sshll.u32 s11, $0x3;
	s10 =	smax.u32 s10, $0x1  }
0xe: {  	s6 =	sadd.s32 s6, s4;
	s4 =	sadd.s32 $0x2E00, s4;
	s9 =	sadd.s32 $0xC400, s9  }
0xf: {  	s12 =	sor.u32 $0x400, s11;
	s15 =	sadd.s32 $0x800, s11;
	s5 =	sadd.s32 $0x189A00, s6  }
0x10: {  	s6 =	sadd.s32 s13, s7;
	s7 =	sadd.s32 s14, s7;
	s8 =	sadd.s32 s13, s9  }
0x11: {  	s9 =	sadd.s32 s14, s9;
	s11 =	sadd.s32 s12, s13;
	s12 =	sadd.s32 s12, s14  }
0x12: {  	s13 =	sadd.s32 s15, s13;
	s14 =	sadd.s32 s15, s14;
	s15 =	simm.s32 $0x5  }
.LBB2_1:
0x13: {  	[tilespmem:s2], [sflag:$0x5] =	stream.linear.gather [hbm4b:s5+s2], $0x1900, $0x38;
	[tilespmem:$0x9900] =	vst v63  }
0x14: {  	_ =	swait.ge [sflag:s15], $0x1900  }
0x15: {  	[sflag:s15] =	ssyncset.done $0x0  }
0x16: {  	[sflag:s15] =	ssyncadd.s32 $0xFFFFE700  }
0x17: {  	[tilespmem:s17], [sflag:$0x1] =	stream.indirect.gather [hbm4b:s3+s16], $0x40, s2, s16, $0xb8;
	[tilespmem:$0x9900] =	vst v63  }
0x18: {  	_ = 	snop  }
0x19: {  	[tilespmem:s18], [sflag:$0x1] =	stream.indirect.gather [hbm4b:s4+s16], $0x40, s2, s16, $0xb8;
	[tilespmem:$0x9900] =	vst v63  }
0x1a: {  	_ =	swait.ge [sflag:s19], $0x2000  }
0x1b: {  	[sflag:s19] =	ssyncset.done $0x0  }
0x1c: {  	[sflag:s19] =	ssyncadd.s32 $0xFFFFE000  }
0x1d: {  	_ =	swait.ge [sflag:s19], $0x2000  }
0x1e: {  	[sflag:s19] =	ssyncset.done $0x0  }
0x1f: {  	[sflag:s19] =	ssyncadd.s32 $0xFFFFE000  }
0x20: {  	[hbm4b:s6+s2] =	stream.linear.scatter [tilespmem:s17], [sflag:$0x3], $0x2000, $0x38;
	[tilespmem:$0x9900] =	vst v63  }
0x21: {  	_ = 	snop  }
0x22: {  	[hbm4b:s7+s2] =	stream.linear.scatter [tilespmem:s18], [sflag:$0x3], $0x2000, $0x38;
	[tilespmem:$0x9900] =	vst v63  }
0x23: {  	_ = 	snop  }
0x24: {  	[tilespmem:s20], [sflag:$0x2] =	stream.indirect.gather [hbm4b:s3+s16], $0x40, s16, s16, $0xb8;
	[tilespmem:$0x9900] =	vst v63  }
0x25: {  	_ = 	snop  }
0x26: {  	[tilespmem:s21], [sflag:$0x2] =	stream.indirect.gather [hbm4b:s4+s16], $0x40, s16, s16, $0xb8;
	[tilespmem:$0x9900] =	vst v63  }
0x27: {  	_ =	swait.ge [sflag:s22], $0x2000  }
0x28: {  	[sflag:s22] =	ssyncset.done $0x0  }
0x29: {  	[sflag:s22] =	ssyncadd.s32 $0xFFFFE000  }
0x2a: {  	_ =	swait.ge [sflag:s22], $0x2000  }
0x2b: {  	[sflag:s22] =	ssyncset.done $0x0  }
0x2c: {  	s26 =	sadd.s32 $0x0, s11;
	[sflag:s22] =	ssyncadd.s32 $0xFFFFE000  }
0x2d: {  	[hbm4b:s26+s2] =	stream.linear.scatter [tilespmem:s20], [sflag:$0x4], $0x2000, $0x38;
	[tilespmem:$0x9900] =	vst v63  }
0x2e: {  	s30 =	sadd.s32 $0x0, s12  }
0x2f: {  	[hbm4b:s30+s2] =	stream.linear.scatter [tilespmem:s21], [sflag:$0x4], $0x2000, $0x38;
	[tilespmem:$0x9900] =	vst v63  }
0x30: {  	_ =	swait.ge [sflag:s23], $0x2000  }
0x31: {  	[sflag:s23] =	ssyncset.done $0x0  }
0x32: {  	[sflag:s23] =	ssyncadd.s32 $0xFFFFE000  }
0x33: {  	_ =	swait.ge [sflag:s23], $0x2000  }
0x34: {  	[sflag:s23] =	ssyncset.done $0x0  }
0x35: {  	s31 =	simm.s32 $0x100;
	[sflag:s23] =	ssyncadd.s32 $0xFFFFE000  }
0x36: {  	[tilespmem:s17], [sflag:$0x1] =	stream.indirect.gather [hbm4b:s3+s16], $0x40, s31, s16, $0xb8;
	[tilespmem:$0x9900] =	vst v63  }
0x37: {  	_ = 	snop  }
0x38: {  	[tilespmem:s18], [sflag:$0x1] =	stream.indirect.gather [hbm4b:s4+s16], $0x40, s31, s16, $0xb8;
	[tilespmem:$0x9900] =	vst v63  }
0x39: {  	_ =	swait.ge [sflag:s19], $0x2000  }
0x3a: {  	[sflag:s19] =	ssyncset.done $0x0  }
0x3b: {  	[sflag:s19] =	ssyncadd.s32 $0xFFFFE000  }
0x3c: {  	_ =	swait.ge [sflag:s19], $0x2000  }
0x3d: {  	[sflag:s19] =	ssyncset.done $0x0  }
0x3e: {  	s30 =	sadd.s32 $0x0, s13;
	[sflag:s19] =	ssyncadd.s32 $0xFFFFE000  }
0x3f: {  	[hbm4b:s30+s2] =	stream.linear.scatter [tilespmem:s17], [sflag:$0x3], $0x2000, $0x38;
	[tilespmem:$0x9900] =	vst v63  }
0x40: {  	s31 =	sadd.s32 $0x0, s14  }
0x41: {  	[hbm4b:s31+s2] =	stream.linear.scatter [tilespmem:s18], [sflag:$0x3], $0x2000, $0x38;
	[tilespmem:$0x9900] =	vst v63  }
0x42: {  	_ =	swait.ge [sflag:s24], $0x2000  }
0x43: {  	[sflag:s24] =	ssyncset.done $0x0  }
0x44: {  	[sflag:s24] =	ssyncadd.s32 $0xFFFFE000  }
0x45: {  	_ =	swait.ge [sflag:s24], $0x2000  }
0x46: {  	s28 =	simm.s32 $0x800;
	[sflag:s24] =	ssyncset.done $0x0  }
0x47: {  	s29 =	simm.s32 $0x280;
	s26 =	simm.s32 $0x180;
	[sflag:s24] =	ssyncadd.s32 $0xFFFFE000  }
0x48: {  	[tilespmem:s20], [sflag:$0x2] =	stream.indirect.gather [hbm4b:s3+s16], $0x40, s26, s16, $0xb8;
	[tilespmem:$0x9900] =	vst v63  }
.LBB2_2:
0x49: {  	[tilespmem:s21], [sflag:$0x2] =	stream.indirect.gather [hbm4b:s4+s16], $0x40, s26, s16, $0xb8;
	[tilespmem:$0x9900] =	vst v63  }
0x4a: {  	s30 =	smov.u32 s28;
	s26 =	smov.u32 s29  }
0x4b: {  	p0 =	sne.s32 s28, $0xB800;
	s28 =	sadd.s32 $0x800, s28;
	_ =	swait.ge [sflag:s22], $0x2000  }
0x4c: {  	[sflag:s22] =	ssyncset.done $0x0  }
0x4d: {  	[sflag:s22] =	ssyncadd.s32 $0xFFFFE000  }
0x4e: {  	_ =	swait.ge [sflag:s22], $0x2000  }
0x4f: {  	[sflag:s22] =	ssyncset.done $0x0  }
0x50: {  	s31 =	sadd.s32 s30, s11;
	[sflag:s22] =	ssyncadd.s32 $0xFFFFE000  }
0x51: {  	[hbm4b:s31+s2] =	stream.linear.scatter [tilespmem:s20], [sflag:$0x4], $0x2000, $0x38;
	[tilespmem:$0x9900] =	vst v63  }
0x52: {  	s31 =	sadd.s32 s30, s12  }
0x53: {  	[hbm4b:s31+s2] =	stream.linear.scatter [tilespmem:s21], [sflag:$0x4], $0x2000, $0x38;
	[tilespmem:$0x9900] =	vst v63  }
0x54: {  	_ =	swait.ge [sflag:s23], $0x2000  }
0x55: {  	[sflag:s23] =	ssyncset.done $0x0  }
0x56: {  	[sflag:s23] =	ssyncadd.s32 $0xFFFFE000  }
0x57: {  	_ =	swait.ge [sflag:s23], $0x2000  }
0x58: {  	[sflag:s23] =	ssyncset.done $0x0  }
0x59: {  	s31 =	sadd.s32 $0xFFFFFF80, s29;
	[sflag:s23] =	ssyncadd.s32 $0xFFFFE000  }
0x5a: {  	[tilespmem:s17], [sflag:$0x1] =	stream.indirect.gather [hbm4b:s3+s16], $0x40, s31, s16, $0xb8;
	[tilespmem:$0x9900] =	vst v63  }
0x5b: {  	_ = 	snop  }
0x5c: {  	[tilespmem:s18], [sflag:$0x1] =	stream.indirect.gather [hbm4b:s4+s16], $0x40, s31, s16, $0xb8;
	[tilespmem:$0x9900] =	vst v63  }
0x5d: {  	_ =	swait.ge [sflag:s19], $0x2000  }
0x5e: {  	[sflag:s19] =	ssyncset.done $0x0  }
0x5f: {  	[sflag:s19] =	ssyncadd.s32 $0xFFFFE000  }
0x60: {  	_ =	swait.ge [sflag:s19], $0x2000  }
0x61: {  	[sflag:s19] =	ssyncset.done $0x0  }
0x62: {  	s31 =	sadd.s32 s30, s13;
	[sflag:s19] =	ssyncadd.s32 $0xFFFFE000  }
0x63: {  	[hbm4b:s31+s2] =	stream.linear.scatter [tilespmem:s17], [sflag:$0x3], $0x2000, $0x38;
	[tilespmem:$0x9900] =	vst v63  }
0x64: {  	s30 =	sadd.s32 s30, s14  }
0x65: {  	[hbm4b:s30+s2] =	stream.linear.scatter [tilespmem:s18], [sflag:$0x3], $0x2000, $0x38;
	[tilespmem:$0x9900] =	vst v63  }
0x66: {  	_ =	swait.ge [sflag:s24], $0x2000  }
0x67: {  	[sflag:s24] =	ssyncset.done $0x0  }
0x68: {  	[sflag:s24] =	ssyncadd.s32 $0xFFFFE000  }
.Ltmp0:
0x69: {  	_ =	swait.ge [sflag:s24], $0x2000;
	(pc) =	sbr.rel @p0 .LBB2_2-.Ltmp0, $4  }
0x6a: {  	[sflag:s24] =	ssyncset.done $0x0  }
0x6b: {  	[sflag:s24] =	ssyncadd.s32 $0xFFFFE000  }
0x6c: {  	[tilespmem:s20], [sflag:$0x2] =	stream.indirect.gather [hbm4b:s3+s16], $0x40, s29, s16, $0xb8;
	[tilespmem:$0x9900] =	vst v63  }
0x6d: {  	s29 =	sadd.s32 $0x100, s29  }
0x6e: {  	[tilespmem:s21], [sflag:$0x2] =	stream.indirect.gather [hbm4b:s4+s16], $0x40, s26, s16, $0xb8;
	[tilespmem:$0x9900] =	vst v63  }
0x6f: {  	_ =	swait.ge [sflag:s22], $0x2000  }
0x70: {  	[sflag:s22] =	ssyncset.done $0x0  }
0x71: {  	[sflag:s22] =	ssyncadd.s32 $0xFFFFE000  }
0x72: {  	_ =	swait.ge [sflag:s22], $0x2000  }
0x73: {  	[sflag:s22] =	ssyncset.done $0x0  }
0x74: {  	[sflag:s22] =	ssyncadd.s32 $0xFFFFE000  }
0x75: {  	[hbm4b:s8+s2] =	stream.linear.scatter [tilespmem:s20], [sflag:$0x4], $0x2000, $0x38;
	[tilespmem:$0x9900] =	vst v63  }
0x76: {  	_ = 	snop  }
0x77: {  	[hbm4b:s9+s2] =	stream.linear.scatter [tilespmem:s21], [sflag:$0x4], $0x2000, $0x38;
	[tilespmem:$0x9900] =	vst v63  }
0x78: {  	_ =	swait.ge [sflag:s23], $0x2000  }
0x79: {  	[sflag:s23] =	ssyncset.done $0x0  }
0x7a: {  	[sflag:s23] =	ssyncadd.s32 $0xFFFFE000  }
0x7b: {  	_ =	swait.ge [sflag:s23], $0x2000  }
0x7c: {  	[sflag:s23] =	ssyncset.done $0x0  }
0x7d: {  	s25 =	sadd.s32 $0x1, s25;
	[sflag:s23] =	ssyncadd.s32 $0xFFFFE000  }
0x7e: {  	p0 =	sne.s32 s25, s10;
	_ =	swait.ge [sflag:s24], $0x2000  }
.Ltmp1:
0x7f: {  	[sflag:s24] =	ssyncset.done $0x0;
	(pc) =	sbr.rel @p0 .LBB2_1-.Ltmp1, $4  }
0x80: {  	[sflag:s24] =	ssyncadd.s32 $0xFFFFE000  }
0x81: {  	_ =	swait.ge [sflag:s24], $0x2000  }
0x82: {  	[sflag:s24] =	ssyncset.done $0x0  }
0x83: {  	[sflag:s24] =	ssyncadd.s32 $0xFFFFE000  }
0x84: {  	_ =	sfence.sel $0x180000  }
0x85: {  	[bflag:$0x0] =	sbarrier.arrive $0xFFFF  }
0x86: {  	p0 =	sne.s32 s0, $0x0;
	_ =	strace $0x90000047  }
0x87: {  	s0 =	sadd.s32 @!p0 $0x100000, s1;
	[bflag:$0x2] =	sbarrier.arrive $0xFFFF  }
0x88: {  	[sflag:s0] =	ssyncadd.tile.s32 @!p0 $0x1;
	_ =	shalt  }
.Lfunc_end2:
_tile_overlayer_lowered:
.L_overlay_start_2:
0x89: {  	(tag) =	ssettag $0x2  }
0x8a: {  	s0 =	rddreg [dreg:$0x0];
	s2 =	stileid.u32  }
0x8b: {  	s1 =	rddreg [dreg:$0x1];
	p0 =	sne.s32 s2, $0x0  }
0x8c: {  	s3 =	rddreg [dreg:$0x2];
	[bflag:$0x3] =	sbarrier.arrive $0xFFFF;
	s2 =	simm.s32 @!p0 $0x1C05  }
0x8d: {  	[timem:s3], [sflag:s2] =	dma.local @!p0 [hbm:s0], s1  }
0x8e: {  	s0 =	simm.s32 @!p0 $0x5  }
0x8f: {  	_ =	swait.ge @!p0 [sflag:s0], s1  }
0x90: {  	s1 =	ssub.s32 @!p0 $0x0, s1;
	[sflag:s0] =	ssyncset.done @!p0 $0x0  }
0x91: {  	[sflag:s0] =	ssyncadd.s32 @!p0 s1  }
0x92: {  	[bflag:$0x3] =	sbarrier.arrive $0xFFFF  }
0x93: {  	_ =	shalt  }

// kernel: sparse-core-data-format-call.1.cloned.1.call-start
scs
called_computation.1_lowered:
.L_overlay_start_0:
0x0: {  	s2 =	sld [smem:$0x3FD9]  }
0x1: {  	s3 =	sld [smem:$0x3FFE];
	_ =	sdelay $0x1  }
0x2: {  	s1 =	srdreg.scid  }
0x3: {  	s0 =	sand.u32 $0x1, s1  }
0x4: {  	s15 =	sshll.u32 s0, $0xA;
	s2 =	sadd.s32 s3, s2  }
0x5: {  	s2 =	sadd.s32 s2, s15  }
0x6: {  	[smem:$0x3FC5] =	sst s2  }
0x7: {  	_ = 	snop  }
0x8: {  	s2 =	sld [smem:$0x3FD0];
	_ =	sdelay $0x2  }
0x9: {  	s16 =	simm.s32 $0xB;
	s4 =	simm.s32 $0x10  }
0xa: {  	[smem:s4], [sflag:s16] =	dma.local [hbm:s2], $0x1  }
0xb: {  	_ =	swait.eq [sflag:s16], $0x1  }
0xc: {  	[sflag:s16] =	ssyncset.done $0x0  }
0xd: {  	[sflag:s16] =	ssyncadd.s32 $0xFFFFFFFF  }
0xe: {  	s17 =	sld [smem:$0x10];
	(tm) =	ssettm $0x1  }
0xf: {  	s18 =	sld [smem:$0x3FFB];
	_ =	sdelay $0x3  }
0x10: {  	_ =	strace s18  }
0x11: {  	s3 =	sld [smem:$0x3FFC];
	_ =	sdelay $0x3  }
0x12: {  	_ =	strace s3  }
0x13: {  	s3 =	sld [smem:$0x3FFD];
	_ =	sdelay $0x3  }
0x14: {  	_ =	strace s3  }
0x15: {  	_ =	strace $0x8FFFFFFF  }
0x16: {  	s19 =	sld [smem:$0x3FDB];
	_ =	sdelay $0x1  }
0x17: {  	s20 =	simm.s32 $_scs_section_size  }
0x18: {  	s5 =	simm.s32 $_size__tile_overlayer_lowered;
	s6 =	simm.s32 $_tile_overlayer_lowered  }
0x19: {  	s23 =	simm.s32 $0x1BFF;
	s22 =	sshll.u32 s6, $0x1;
	s3 =	sadd.s32 s20, s19  }
0x1a: {  	s7 =	simm.s32 $0x0;
	s21 =	sshll.u32 s5, $0x1;
	s5 =	sadd.s32 s22, s3  }
0x1b: {  	[timem:s7], [sflag:s23] =	dma.local [hbm:s5], s21  }
0x1c: {  	_ =	swait.ge [sflag:s23], s21  }
0x1d: {  	s4 =	ssub.s32 $0x0, s21;
	[sflag:s23] =	ssyncset.done $0x0  }
0x1e: {  	[sflag:s23] =	ssyncadd.s32 s4;
	_ =	sdelay $0x1  }
0x1f: {  	s24 =	simm.s32 $0x1B8B  }
0x20: {  	_ =	swait.ge [sflag:s24], $0x1  }
0x21: {  	[sflag:s24] =	ssyncset.done $0x0  }
0x22: {  	s26 =	simm.s32 $0x1B8E;
	s25 =	sld [smem:$0x3FFE];
	[sflag:s24] =	ssyncadd.s32 $0xFFFFFFFF  }
0x23: {  	s27 =	simm.s32 $execute0_lowered;
	[smem:$0x3FD2] =	sst s26  }
0x24: {  	s5 =	sshll.u32 s27, $0x1;
	_ =	strace $0x80000049;
	[dreg:$0x1] =	wrdreg $0xFFFFFFFF  }
0x25: {  	s28 =	simm.s32 $_size_execute0_lowered;
	s3 =	sadd.s32 s3, s5;
	[dreg:$0x0] =	wrdreg $0x0  }
0x26: {  	s5 =	sshll.u32 s28, $0x1;
	[dreg:$0x2] =	wrdreg s3  }
0x27: {  	[dreg:$0x3] =	wrdreg s5  }
0x28: {  	[dreg:$0x4] =	wrdreg $0xC0  }
0x29: {  	_ =	task [dreg:s7], $0x5FFFF  }
0x2a: {  	[dreg:$0x1] =	wrdreg $0xFFFFFFFF  }
0x2b: {  	[dreg:$0x0] =	wrdreg $0x60  }
0x2c: {  	[dreg:$0x2] =	wrdreg s25  }
0x2d: {  	[dreg:$0x3] =	wrdreg s17  }
0x2e: {  	[dreg:$0x4] =	wrdreg $0xA  }
0x2f: {  	_ =	task.clear_ibuf [dreg:s7], $0x5FFFF;
	_ =	strace $0x90000049  }
0x30: {  	s29 =	simm.s32 $0xA;
	_ =	strace $0x8000004B  }
0x31: {  	_ =	swait.ge [sflag:s29], $0x1  }
0x32: {  	[sflag:s29] =	ssyncadd.s32 $0xFFFFFFFF  }
0x33: {  	_ =	strace $0x9000004B  }
0x34: {  	_ =	sfence  }
0x35: {  	s30 =	sld [smem:$0x0];
	_ =	sdelay $0x2  }
0x36: {  	s31 =	sshll.u32 s1, $0xD;
	s1 =	sshrl.u32 s1, $0x2  }
0x37: {  	s3 =	sand.u32 $0x4000, s31;
	s1 =	sadd.s32 s1, s30  }
0x38: {  	s0 =	sor.u32 s3, s0;
	s1 =	sshll.u32 s1, $0x11  }
0x39: {  	s0 =	sor.u32 s1, s0  }
0x3a: {  	s0 =	sadd.s32 $0x8F2B, s0  }
0x3b: {  	[sflag:s0] =	ssyncadd.remote.s32 $0x1  }
0x3c: {  	_ =	sfence.sel $0xFFFF  }
0x3d: {  	[dreg:$0x0] =	wrdreg $0xFFFFFFFF;
	(pc) =	sbr.abs _section_cstart, $3  }
0x3e: {  	[dreg:$0x1] =	wrdreg $0xFFFFFFFF  }
0x3f: {  	_ =	task.clear_ibuf [dreg:s7], $0x2FFFF;
	_ =	strace $0x9FFFFFFF  }
0x40: {  	(tm) =	ssettm $0x7FFFFFFF  }
0x41: {  	_ =	shalt  }
tec
execute0_lowered:
.L_overlay_start_1:
0x0: {  	(tag) =	ssettag $0x1  }
0x1: {  	s0 =	srdreg.scid  }
0x2: {  	s1 =	sshll.u32 s0, $0x4  }
0x3: {  	s4 =	rddreg [dreg:$0x0];
	s0 =	stileid.u32;
	s1 =	sand.u32 $0x10, s1  }
0x4: {  	s2 =	rddreg [dreg:$0x1];
	s7 =	simm.s32 $0x1;
	s1 =	sor.u32 s0, s1  }
0x5: {  	s8 =	simm.s32 $0x2;
	s11 =	simm.s32 $0x0;
	s3 =	sshll.u32 s1, $0x7  }
0x6: {  	s10 =	simm.s32 $0x0;
	s4 =	sadd.s32 $0x2E00, s4;
	s6 =	ssub.s32 $0x32000, s3  }
.Ltmp0:
0x7: {  	s1 =	rddreg [dreg:$0x2];
	s5 =	sand.u32 $0xF80, s6;
	(pc) =	sbr.rel .LBB1_1-.Ltmp0, $4  }
0x8: {  	_ =	strace $0x8000004A;
	s9 =	smov.u32 s3;
	p0 =	sne.s32 s5, $0x0  }
0x9: {  	s6 =	sshrl.u32 s6, $0xC;
	s5 =	simm.s32 $0x1;
	s7 =	simm.s32 @!p0 $0x0  }
0xa: {  	[sflag:s5] =	ssyncpa.u1 $0x0;
	p0 =	por $0x0, $0x0;
	s6 =	sadd.s32 s7, s6  }
0xb: {  	[sflag:s8] =	ssyncpa.u1 $0x0;
	s8 =	simm.s32 $0x190000;
	s7 =	sadd.s32 $0x1, s6  }
.LBB1_4:
0xc: {  	s14 =	sshll.u32 s11, $0x3  }
0xd: {  	s30 =	sand.u32 $0x7F, s11;
	s15 =	sand.u32 $0xFFFFFC00, s14  }
0xe: {  	s11 =	sor.u32 s30, s15  }
0xf: {  	s15 =	smulhi.u32 $0x51EB851F, s11  }
0x10: {  	s14 =	smulhi.u32 $0x51EB851F, s14  }
0x11: {  	s15 =	sshrl.u32 s15, $0x10  }
0x12: {  	s14 =	sshrl.u32 s14, $0x10;
	s15 =	smul.u32 $0x32000, s15  }
0x13: {  	s14 =	sand.u32 $0x3F, s14  }
0x14: {  	s14 =	smul.u32 $0x6400, s14;
	s11 =	ssub.s32 s11, s15  }
0x15: {  	[tilespmem:s13+$0x810 ss:$0x81] =	vst.msk $0xffff, v2;
	s15 =	sand.u32 $0x7, s11  }
0x16: {  	[tilespmem:s13+$0x1020 ss:$0x81] =	vst.msk $0xffff, v0;
	s14 =	sadd.s32 s2, s14;
	s11 =	sshrl.u32 s11, $0x3;
	s15 =	sshll.u32 s15, $0x12  }
0x17: {  	[tilespmem:s13+$0x0 ss:$0x81] =	vst.msk $0xffff, v1;
	s11 =	sadd.s32 s11, s14;
	s31 =	sor.u32 $0x400, s15  }
0x18: {  	[hbm4b:s11+s31] =	stream.strided.scatter [tilespmem:s12], [sflag:$0x2], $0x2000, s8, s31, $0x20;
	[tilespmem:$0x8080] =	vst v63  }
.LBB1_5:
0x19: {  	s13 =	sadd.s32 $0x1000, s9  }
0x1a: {  	p2 =	sgt.s32 s13, $0x31FFF  }
0x1b: {  	s13 =	smov.u32 @p2 s3;
	p2 =	sne.s32 s10, s7  }
.Ltmp1:
0x1c: {  	p1 =	slt.u32 s10, $0x2;
	(pc) =	sbr.rel @!p2 .LBB1_6-.Ltmp1, $4  }
0x1d: {  	s12 =	simm.s32 @!p1 $0x2  }
0x1e: {  	s14 =	sadd.s32 $0x1, s10;
	_ =	swait.ge @!p1 [sflag:s12], $0x2000  }
0x1f: {  	s11 =	smov.u32 s9;
	p0 =	por !p0, !p0;
	[sflag:s12] =	ssyncset.done @!p1 $0x0  }
0x20: {  	s10 =	smov.u32 s14;
	s9 =	smov.u32 s13;
	[sflag:s12] =	ssyncadd.s32 @!p1 $0xFFFFE000  }
.LBB1_1:
0x21: {  	p1 =	sge.u32 s10, s6  }
0x22: {  	s12 =	sand.u32 @!p1 $0x1FFFFFF, s9  }
0x23: {  	s13 =	smulhi.u32 @!p1 $0x147AE15, s12;
	_ =	sdelay $0x1  }
0x24: {  	s13 =	sshrl.u32 @!p1 s13, $0xA  }
0x25: {  	s13 =	smul.u32 @!p1 $0x32000, s13;
	_ =	sdelay $0x1  }
0x26: {  	s31 =	sadd.s32 $0xFFFFFFFF, s10;
	s14 =	sxor.u32 @!p1 $0xFFFFFFFF, s10;
	s12 =	ssub.s32 @!p1 s12, s13  }
0x27: {  	s15 =	simm.s32 @!p1 $0x80;
	s14 =	sshll.u32 @!p1 s14, $0xD;
	s12 =	sshll.u32 @!p1 s12, $0x4  }
0x28: {  	s13 =	sand.u32 @!p1 $0x2000, s14;
	s14 =	simm.s32 @!p1 $0x40;
	s12 =	sadd.s32 @!p1 s4, s12  }
0x29: {  	[tilespmem:s13], [sflag:$0x1] =	stream.strided.gather @!p1 [hbm4b:s12+s14], $0x2000, s15, s14, $0x38;
	[tilespmem:$0x8080] =	vst v63  }
0x2a: {  	p1 =	sge.u32 s31, s6  }
.Ltmp2:
0x2b: {  	_ = 	snop;
	(pc) =	sbr.rel @p1 .LBB1_5-.Ltmp2, $1  }
0x2c: {  	_ =	sdelay $0x3  }
0x2d: {  	s12 =	simm.s32 $0x1  }
0x2e: {  	_ =	swait.ge [sflag:s5], $0x2000;
	s12 =	simm.s32 @!p0 $0x0  }
0x2f: {  	[sflag:s5] =	ssyncset.done $0x0;
	s13 =	sshll.u32 s12, $0xD  }
0x30: {  	[sflag:s5] =	ssyncadd.s32 $0xFFFFE000;
	s16 =	sor.u32 $0x20, s13  }
0x31: {  	s12 =	smul.u32 $0x8100, s12;
	v3 =	vld [tilespmem:s16+$0x10]  }
0x32: {  	s30 =	sand.u32 $0x1, s10;
	v2 =	vld [tilespmem:s16+$0xFFFFFFF0]  }
0x33: {  	s13 =	smul.u32 $0x8100, s30;
	s12 =	sshrl.u32 s12, $0x2;
	v0 =	vld [tilespmem:s16+$0x0]  }
0x34: {  	v1 =	vld [tilespmem:s16+$0xFFFFFFE0];
	s14 =	sor.u32 $0x4000, s12  }
0x35: {  	s31 =	sshrl.u32 s13, $0x2;
	s13 =	sadd.s32 $0x0, s14  }
0x36: {  	s15 =	simm.s32 $0x4;
	s16 =	sadd.s32 $0x40, s16;
	s12 =	sor.u32 $0x4000, s31;
	[tilespmem:s13+$0x1830 ss:$0x81] =	vst.msk $0xffff, v3  }
.LBB1_3:
0x37: {  	v3 =	vld [tilespmem:s16+$0x10];
	p1 =	sne.s32 s15, $0x1FC;
	[tilespmem:s13+$0x810 ss:$0x81] =	vst.msk $0xffff, v2;
	s17 =	smov.u32 s15;
	s15 =	sadd.s32 $0x4, s15  }
.Ltmp3:
0x38: {  	v2 =	vld [tilespmem:s16+$0xFFFFFFF0];
	[tilespmem:s13+$0x1020 ss:$0x81] =	vst.msk $0xffff, v0;
	(pc) =	sbr.rel @p1 .LBB1_3-.Ltmp3, $4  }
0x39: {  	v0 =	vld [tilespmem:s16+$0x0];
	[tilespmem:s13+$0x0 ss:$0x81] =	vst.msk $0xffff, v1  }
0x3a: {  	s13 =	sshra.s32 s17, $0x2;
	v1 =	vld [tilespmem:s16+$0xFFFFFFE0]  }
0x3b: {  	s13 =	sadd.s32 s13, s14  }
0x3c: {  	s16 =	sadd.s32 $0x40, s16;
	[tilespmem:s13+$0x1830 ss:$0x81] =	vst.msk $0xffff, v3  }
.Ltmp4:
0x3d: {  	_ = 	snop;
	(pc) =	sbr.rel .LBB1_4-.Ltmp4, $1  }
0x3e: {  	_ =	sdelay $0x3  }
.LBB1_6:
0x3f: {  	_ =	sfence.sel $0x180000  }
0x40: {  	s2 =	simm.s32 $0x1;
	[bflag:$0x0] =	sbarrier.arrive $0xFFFF  }
0x41: {  	s31 =	simm.s32 $0x2;
	[sflag:s2] =	ssyncpa.u1 $0x1  }
0x42: {  	[sflag:s31] =	ssyncpa.u1 $0x1  }
0x43: {  	p0 =	sne.s32 s0, $0x0;
	_ =	strace $0x9000004A  }
0x44: {  	s0 =	sadd.s32 @!p0 $0x100000, s1;
	[bflag:$0x2] =	sbarrier.arrive $0xFFFF  }
0x45: {  	[sflag:s0] =	ssyncadd.tile.s32 @!p0 $0x1;
	_ =	shalt  }
.Lfunc_end1:
_tile_overlayer_lowered:
.L_overlay_start_2:
0x46: {  	(tag) =	ssettag $0x2  }
0x47: {  	s0 =	rddreg [dreg:$0x0];
	s2 =	stileid.u32  }
0x48: {  	s1 =	rddreg [dreg:$0x1];
	p0 =	sne.s32 s2, $0x0  }
0x49: {  	s3 =	rddreg [dreg:$0x2];
	[bflag:$0x3] =	sbarrier.arrive $0xFFFF;
	s2 =	simm.s32 @!p0 $0x1C01  }
0x4a: {  	[timem:s3], [sflag:s2] =	dma.local @!p0 [hbm:s0], s1  }
0x4b: {  	s0 =	simm.s32 @!p0 $0x1  }
0x4c: {  	_ =	swait.ge @!p0 [sflag:s0], s1  }
0x4d: {  	s1 =	ssub.s32 @!p0 $0x0, s1;
	[sflag:s0] =	ssyncset.done @!p0 $0x0  }
0x4e: {  	[sflag:s0] =	ssyncadd.s32 @!p0 s1  }
0x4f: {  	[bflag:$0x3] =	sbarrier.arrive $0xFFFF  }
0x50: {  	_ =	shalt  }

// kernel: sparse-core-data-format-call.cloned.1.call-start
scs
called_computation_lowered:
.L_overlay_start_0:
0x0: {  	s2 =	sld [smem:$0x3FD9]  }
0x1: {  	s3 =	sld [smem:$0x3FFE];
	_ =	sdelay $0x1  }
0x2: {  	s1 =	srdreg.scid  }
0x3: {  	s0 =	sand.u32 $0x1, s1  }
0x4: {  	s16 =	sshll.u32 s0, $0xA;
	s2 =	sadd.s32 s3, s2  }
0x5: {  	s2 =	sadd.s32 s2, s16  }
0x6: {  	[smem:$0x3FC5] =	sst s2  }
0x7: {  	_ = 	snop  }
0x8: {  	s2 =	sld [smem:$0x3FD0];
	_ =	sdelay $0x2  }
0x9: {  	s17 =	simm.s32 $0xB;
	s4 =	simm.s32 $0x10  }
0xa: {  	[smem:s4], [sflag:s17] =	dma.local [hbm:s2], $0x1  }
0xb: {  	_ =	swait.eq [sflag:s17], $0x1  }
0xc: {  	[sflag:s17] =	ssyncset.done $0x0  }
0xd: {  	[sflag:s17] =	ssyncadd.s32 $0xFFFFFFFF  }
0xe: {  	s18 =	sld [smem:$0x11];
	(tm) =	ssettm $0x1  }
0xf: {  	s19 =	sld [smem:$0x3FFB];
	_ =	sdelay $0x3  }
0x10: {  	_ =	strace s19  }
0x11: {  	s2 =	sld [smem:$0x3FFC];
	_ =	sdelay $0x3  }
0x12: {  	_ =	strace s2  }
0x13: {  	s2 =	sld [smem:$0x3FFD];
	_ =	sdelay $0x3  }
0x14: {  	_ =	strace s2  }
0x15: {  	_ =	strace $0x8FFFFFFF  }
0x16: {  	s20 =	sld [smem:$0x3FDB];
	_ =	sdelay $0x1  }
0x17: {  	s21 =	simm.s32 $_scs_section_size  }
0x18: {  	s5 =	simm.s32 $_size__tile_overlayer_lowered;
	s6 =	simm.s32 $_tile_overlayer_lowered  }
0x19: {  	s7 =	simm.s32 $0x1BFF;
	s22 =	sshll.u32 s6, $0x1;
	s4 =	sadd.s32 s21, s20  }
0x1a: {  	s23 =	simm.s32 $0x0;
	s5 =	sshll.u32 s5, $0x1;
	s6 =	sadd.s32 s22, s4  }
0x1b: {  	[timem:s23], [sflag:s7] =	dma.local [hbm:s6], s5  }
0x1c: {  	_ =	swait.ge [sflag:s7], s5  }
0x1d: {  	s5 =	ssub.s32 $0x0, s5;
	[sflag:s7] =	ssyncset.done $0x0  }
0x1e: {  	[sflag:s7] =	ssyncadd.s32 s5;
	_ =	sdelay $0x1  }
0x1f: {  	s24 =	simm.s32 $0x1B8B  }
0x20: {  	_ =	swait.ge [sflag:s24], $0x1  }
0x21: {  	[sflag:s24] =	ssyncset.done $0x0  }
0x22: {  	[sflag:s24] =	ssyncadd.s32 $0xFFFFFFFF  }
0x23: {  	s5 =	sld [smem:$0x0]  }
0x24: {  	s6 =	sand.u32 $0xFFFFFFFE, s1  }
0x25: {  	p0 =	sne.s32 s1, s6  }
0x26: {  	s6 =	sshll.u32 @p0 s6, $0xE  }
0x27: {  	s6 =	sadd.s32 @p0 $0x11B8D, s6;
	s7 =	sshll.u32 @p0 s5, $0x11  }
0x28: {  	s6 =	sor.u32 @p0 s7, s6  }
0x29: {  	[sflag:s6] =	ssyncadd.remote.s32 @p0 $0x1;
	_ =	sdelay $0x1  }
0x2a: {  	s6 =	simm.s32 @p0 $0x1B8D  }
0x2b: {  	_ =	swait.eq @p0 [sflag:s6], $0x1  }
0x2c: {  	[sflag:s6] =	ssyncadd.s32 @p0 $0xFFFFFFFF  }
0x2d: {  	s7 =	sshll.u32 @!p0 s1, $0xE  }
0x2e: {  	s7 =	sor.u32 @!p0 $0x4000, s7;
	s6 =	simm.s32 @!p0 $0x1B8D  }
0x2f: {  	s5 =	sshll.u32 @!p0 s5, $0x11;
	s7 =	sadd.s32 @!p0 $0x11B8D, s7;
	_ =	swait.eq @!p0 [sflag:s6], $0x1  }
0x30: {  	s5 =	sor.u32 @!p0 s5, s7;
	[sflag:s6] =	ssyncadd.s32 @!p0 $0xFFFFFFFF  }
0x31: {  	s26 =	simm.s32 $0x1B8E;
	s25 =	sld [smem:$0x3FFE];
	[sflag:s5] =	ssyncadd.remote.s32 @!p0 $0x1  }
0x32: {  	s27 =	simm.s32 $execute0_lowered;
	[smem:$0x3FD2] =	sst s26  }
0x33: {  	s6 =	sshll.u32 s27, $0x1;
	_ =	strace $0x8000004C;
	[dreg:$0x1] =	wrdreg $0xFFFFFFFF  }
0x34: {  	s28 =	simm.s32 $_size_execute0_lowered;
	s4 =	sadd.s32 s4, s6;
	[dreg:$0x0] =	wrdreg $0x0  }
0x35: {  	s6 =	sshll.u32 s28, $0x1;
	[dreg:$0x2] =	wrdreg s4  }
0x36: {  	[dreg:$0x3] =	wrdreg s6  }
0x37: {  	[dreg:$0x4] =	wrdreg $0xC0  }
0x38: {  	_ =	task [dreg:s23], $0x5FFFF  }
0x39: {  	[dreg:$0x1] =	wrdreg $0xFFFFFFFF  }
0x3a: {  	[dreg:$0x0] =	wrdreg $0x60  }
0x3b: {  	[dreg:$0x2] =	wrdreg s25  }
0x3c: {  	[dreg:$0x3] =	wrdreg s18  }
0x3d: {  	[dreg:$0x4] =	wrdreg $0x9  }
0x3e: {  	_ =	task.clear_ibuf [dreg:s23], $0x5FFFF;
	_ =	strace $0x9000004C  }
0x3f: {  	s29 =	simm.s32 $0x9;
	_ =	strace $0x8000004E  }
0x40: {  	_ =	swait.ge [sflag:s29], $0x1  }
0x41: {  	[sflag:s29] =	ssyncadd.s32 $0xFFFFFFFF  }
0x42: {  	_ =	strace $0x9000004E  }
0x43: {  	_ =	sfence  }
0x44: {  	s30 =	sld [smem:$0x0];
	_ =	sdelay $0x2  }
0x45: {  	s31 =	sshll.u32 s1, $0xD;
	s1 =	sshrl.u32 s1, $0x2  }
0x46: {  	s4 =	sand.u32 $0x4000, s31;
	s1 =	sadd.s32 s1, s30  }
0x47: {  	s0 =	sor.u32 s4, s0;
	s1 =	sshll.u32 s1, $0x11  }
0x48: {  	s0 =	sor.u32 s1, s0  }
0x49: {  	s0 =	sadd.s32 $0x8F2B, s0  }
0x4a: {  	[sflag:s0] =	ssyncadd.remote.s32 $0x1  }
0x4b: {  	_ =	sfence.sel $0xFFFF  }
0x4c: {  	[dreg:$0x0] =	wrdreg $0xFFFFFFFF;
	(pc) =	sbr.abs _section_cstart, $3  }
0x4d: {  	[dreg:$0x1] =	wrdreg $0xFFFFFFFF  }
0x4e: {  	_ =	task.clear_ibuf [dreg:s23], $0x2FFFF;
	_ =	strace $0x9FFFFFFF  }
0x4f: {  	(tm) =	ssettm $0x7FFFFFFF  }
tec
execute0_lowered:
.L_overlay_start_1:
0x0: {  	(tag) =	ssettag $0x1  }
0x1: {  	s0 =	srdreg.scid  }
0x2: {  	s1 =	sshll.u32 s0, $0x4  }
0x3: {  	s4 =	rddreg [dreg:$0x0];
	s0 =	stileid.u32;
	s1 =	sand.u32 $0x10, s1  }
0x4: {  	s2 =	rddreg [dreg:$0x1];
	s7 =	simm.s32 $0x1;
	s1 =	sor.u32 s0, s1  }
0x5: {  	s8 =	simm.s32 $0x2;
	s11 =	simm.s32 $0x0;
	s3 =	sshll.u32 s1, $0x7  }
0x6: {  	s10 =	simm.s32 $0x0;
	s4 =	sadd.s32 $0x322E00, s4;
	s6 =	ssub.s32 $0x32000, s3  }
.Ltmp0:
0x7: {  	s1 =	rddreg [dreg:$0x2];
	s5 =	sand.u32 $0xF80, s6;
	(pc) =	sbr.rel .LBB1_1-.Ltmp0, $4  }
0x8: {  	_ =	strace $0x8000004D;
	s9 =	smov.u32 s3;
	p0 =	sne.s32 s5, $0x0  }
0x9: {  	s6 =	sshrl.u32 s6, $0xC;
	s5 =	simm.s32 $0x1;
	s7 =	simm.s32 @!p0 $0x0  }
0xa: {  	[sflag:s5] =	ssyncpa.u1 $0x0;
	p0 =	por $0x0, $0x0;
	s6 =	sadd.s32 s7, s6  }
0xb: {  	[sflag:s8] =	ssyncpa.u1 $0x0;
	s8 =	simm.s32 $0x190000;
	s7 =	sadd.s32 $0x1, s6  }
.LBB1_4:
0xc: {  	s14 =	sshll.u32 s11, $0x3  }
0xd: {  	s30 =	sand.u32 $0x7F, s11;
	s15 =	sand.u32 $0xFFFFFC00, s14  }
0xe: {  	s11 =	sor.u32 s30, s15  }
0xf: {  	s15 =	smulhi.u32 $0x51EB851F, s11  }
0x10: {  	s14 =	smulhi.u32 $0x51EB851F, s14  }
0x11: {  	s15 =	sshrl.u32 s15, $0x10  }
0x12: {  	s14 =	sshrl.u32 s14, $0x10;
	s15 =	smul.u32 $0x32000, s15  }
0x13: {  	s14 =	sand.u32 $0x3F, s14  }
0x14: {  	s14 =	smul.u32 $0x6400, s14;
	s11 =	ssub.s32 s11, s15  }
0x15: {  	[tilespmem:s13+$0x810 ss:$0x81] =	vst.msk $0xffff, v2;
	s15 =	sand.u32 $0x7, s11  }
0x16: {  	[tilespmem:s13+$0x1020 ss:$0x81] =	vst.msk $0xffff, v0;
	s14 =	sadd.s32 s2, s14;
	s11 =	sshrl.u32 s11, $0x3;
	s15 =	sshll.u32 s15, $0x12  }
0x17: {  	[tilespmem:s13+$0x0 ss:$0x81] =	vst.msk $0xffff, v1;
	s11 =	sadd.s32 s11, s14;
	s31 =	sor.u32 $0x400, s15  }
0x18: {  	[hbm4b:s11+s31] =	stream.strided.scatter [tilespmem:s12], [sflag:$0x2], $0x2000, s8, s31, $0x20;
	[tilespmem:$0x8080] =	vst v63  }
.LBB1_5:
0x19: {  	s13 =	sadd.s32 $0x1000, s9  }
0x1a: {  	p2 =	sgt.s32 s13, $0x31FFF  }
0x1b: {  	s13 =	smov.u32 @p2 s3;
	p2 =	sne.s32 s10, s7  }
.Ltmp1:
0x1c: {  	p1 =	slt.u32 s10, $0x2;
	(pc) =	sbr.rel @!p2 .LBB1_6-.Ltmp1, $4  }
0x1d: {  	s12 =	simm.s32 @!p1 $0x2  }
0x1e: {  	s14 =	sadd.s32 $0x1, s10;
	_ =	swait.ge @!p1 [sflag:s12], $0x2000  }
0x1f: {  	s11 =	smov.u32 s9;
	p0 =	por !p0, !p0;
	[sflag:s12] =	ssyncset.done @!p1 $0x0  }
0x20: {  	s10 =	smov.u32 s14;
	s9 =	smov.u32 s13;
	[sflag:s12] =	ssyncadd.s32 @!p1 $0xFFFFE000  }
.LBB1_1:
0x21: {  	p1 =	sge.u32 s10, s6  }
0x22: {  	s12 =	sand.u32 @!p1 $0x1FFFFFF, s9  }
0x23: {  	s13 =	smulhi.u32 @!p1 $0x147AE15, s12;
	_ =	sdelay $0x1  }
0x24: {  	s13 =	sshrl.u32 @!p1 s13, $0xA  }
0x25: {  	s13 =	smul.u32 @!p1 $0x32000, s13;
	_ =	sdelay $0x1  }
0x26: {  	s31 =	sadd.s32 $0xFFFFFFFF, s10;
	s14 =	sxor.u32 @!p1 $0xFFFFFFFF, s10;
	s12 =	ssub.s32 @!p1 s12, s13  }
0x27: {  	s15 =	simm.s32 @!p1 $0x80;
	s14 =	sshll.u32 @!p1 s14, $0xD;
	s12 =	sshll.u32 @!p1 s12, $0x4  }
0x28: {  	s13 =	sand.u32 @!p1 $0x2000, s14;
	s14 =	simm.s32 @!p1 $0x40;
	s12 =	sadd.s32 @!p1 s4, s12  }
0x29: {  	[tilespmem:s13], [sflag:$0x1] =	stream.strided.gather @!p1 [hbm4b:s12+s14], $0x2000, s15, s14, $0x38;
	[tilespmem:$0x8080] =	vst v63  }
0x2a: {  	p1 =	sge.u32 s31, s6  }
.Ltmp2:
0x2b: {  	_ = 	snop;
	(pc) =	sbr.rel @p1 .LBB1_5-.Ltmp2, $1  }
0x2c: {  	_ =	sdelay $0x3  }
0x2d: {  	s12 =	simm.s32 $0x1  }
0x2e: {  	_ =	swait.ge [sflag:s5], $0x2000;
	s12 =	simm.s32 @!p0 $0x0  }
0x2f: {  	[sflag:s5] =	ssyncset.done $0x0;
	s13 =	sshll.u32 s12, $0xD  }
0x30: {  	[sflag:s5] =	ssyncadd.s32 $0xFFFFE000;
	s16 =	sor.u32 $0x20, s13  }
0x31: {  	s12 =	smul.u32 $0x8100, s12;
	v3 =	vld [tilespmem:s16+$0x10]  }
0x32: {  	s30 =	sand.u32 $0x1, s10;
	v2 =	vld [tilespmem:s16+$0xFFFFFFF0]  }
0x33: {  	s13 =	smul.u32 $0x8100, s30;
	s12 =	sshrl.u32 s12, $0x2;
	v0 =	vld [tilespmem:s16+$0x0]  }
0x34: {  	v1 =	vld [tilespmem:s16+$0xFFFFFFE0];
	s14 =	sor.u32 $0x4000, s12  }
0x35: {  	s31 =	sshrl.u32 s13, $0x2;
	s13 =	sadd.s32 $0x0, s14  }
0x36: {  	s15 =	simm.s32 $0x4;
	s16 =	sadd.s32 $0x40, s16;
	s12 =	sor.u32 $0x4000, s31;
	[tilespmem:s13+$0x1830 ss:$0x81] =	vst.msk $0xffff, v3  }
.LBB1_3:
0x37: {  	v3 =	vld [tilespmem:s16+$0x10];
	p1 =	sne.s32 s15, $0x1FC;
	[tilespmem:s13+$0x810 ss:$0x81] =	vst.msk $0xffff, v2;
	s17 =	smov.u32 s15;
	s15 =	sadd.s32 $0x4, s15  }
.Ltmp3:
0x38: {  	v2 =	vld [tilespmem:s16+$0xFFFFFFF0];
	[tilespmem:s13+$0x1020 ss:$0x81] =	vst.msk $0xffff, v0;
	(pc) =	sbr.rel @p1 .LBB1_3-.Ltmp3, $4  }
0x39: {  	v0 =	vld [tilespmem:s16+$0x0];
	[tilespmem:s13+$0x0 ss:$0x81] =	vst.msk $0xffff, v1  }
0x3a: {  	s13 =	sshra.s32 s17, $0x2;
	v1 =	vld [tilespmem:s16+$0xFFFFFFE0]  }
0x3b: {  	s13 =	sadd.s32 s13, s14  }
0x3c: {  	s16 =	sadd.s32 $0x40, s16;
	[tilespmem:s13+$0x1830 ss:$0x81] =	vst.msk $0xffff, v3  }
.Ltmp4:
0x3d: {  	_ = 	snop;
	(pc) =	sbr.rel .LBB1_4-.Ltmp4, $1  }
0x3e: {  	_ =	sdelay $0x3  }
.LBB1_6:
0x3f: {  	_ =	sfence.sel $0x180000  }
0x40: {  	s2 =	simm.s32 $0x1;
	[bflag:$0x0] =	sbarrier.arrive $0xFFFF  }
0x41: {  	s31 =	simm.s32 $0x2;
	[sflag:s2] =	ssyncpa.u1 $0x1  }
0x42: {  	[sflag:s31] =	ssyncpa.u1 $0x1  }
0x43: {  	p0 =	sne.s32 s0, $0x0;
	_ =	strace $0x9000004D  }
0x44: {  	s0 =	sadd.s32 @!p0 $0x100000, s1;
	[bflag:$0x2] =	sbarrier.arrive $0xFFFF  }
0x45: {  	[sflag:s0] =	ssyncadd.tile.s32 @!p0 $0x1;
	_ =	shalt  }
.Lfunc_end1:
_tile_overlayer_lowered:
.L_overlay_start_2:
0x46: {  	(tag) =	ssettag $0x2  }
0x47: {  	s0 =	rddreg [dreg:$0x0];
	s2 =	stileid.u32  }
0x48: {  	s1 =	rddreg [dreg:$0x1];
	p0 =	sne.s32 s2, $0x0  }
0x49: {  	s3 =	rddreg [dreg:$0x2];
	[bflag:$0x3] =	sbarrier.arrive $0xFFFF;
	s2 =	simm.s32 @!p0 $0x1C01  }
0x4a: {  	[timem:s3], [sflag:s2] =	dma.local @!p0 [hbm:s0], s1  }
0x4b: {  	s0 =	simm.s32 @!p0 $0x1  }
0x4c: {  	_ =	swait.ge @!p0 [sflag:s0], s1  }
0x4d: {  	s1 =	ssub.s32 @!p0 $0x0, s1;
	[sflag:s0] =	ssyncset.done @!p0 $0x0  }
0x4e: {  	[sflag:s0] =	ssyncadd.s32 @!p0 s1  }
0x4f: {  	[bflag:$0x3] =	sbarrier.arrive $0xFFFF  }
0x50: {  	_ =	shalt  }

</sc_bundles>
